<compile_context>
chip_gen: v7x
topology: tpu7x:2x2x1
jax: 0.10.2.dev20260603
libtpu: 0.0.44.dev20260713+nightly
codegen_flags: <defaults>
</compile_context>

<pallas_src>
import functools

import jax
import jax.numpy as jnp
from jax import lax
from jax.experimental import pallas as pl
from jax.experimental.pallas import tpu as pltpu
from jax.experimental.pallas import tpu_sc as plsc

B = 16384
L = 200
V = 7
D = 4
NW = 32
RPW = B // NW
CB = 128
NCHUNK = RPW // CB
NL4 = (V ** 4 + 15) // 16
PAIR_STEP = 4


def _sc_body(xt_hbm, params_hbm, out_hbm,
             xv, lut1, lut2, lut4, outv, pv, sems):
    nc = 2
    wid = lax.axis_index("s") * nc + lax.axis_index("c")
    base = wid * RPW

    pltpu.sync_copy(params_hbm, pv)

    lane = lax.iota(jnp.int32, 16)

    k_ix = jnp.minimum(lane, V - 1) * D
    v = jnp.zeros((16,), jnp.float32)
    for j in range(D):
        tcol = plsc.load_gather(pv, [k_ix + j])
        wj = plsc.load_gather(pv, [jnp.full((16,), V * D + j, jnp.int32)])
        v = v + tcol * wj
    lut1[...] = v * (1.0 / L)
    bias = plsc.load_gather(pv, [jnp.full((16,), V * D + D, jnp.int32)])

    for i in range(4):
        ix = lane + i * 16
        lut2[pl.ds(i * 16, 16)] = (plsc.load_gather(lut1, [ix // V]) +
                                   plsc.load_gather(lut1, [ix % V]))

    def l4_body(i, carry):
        ix = lane + i * 16
        lut4[pl.ds(i * 16, 16)] = (
            plsc.load_gather(lut2, [ix // (V * V)]) +
            plsc.load_gather(lut2, [ix % (V * V)]))
        return carry

    lax.fori_loop(0, NL4, l4_body, 0)

    def make_chunk_compute(buf, chunk):
        def group_body(g, carry):
            b0 = g * 16

            def col_body(i, acc):
                l = i * PAIR_STEP
                a0 = buf[l, pl.ds(b0, 16)]
                a1 = buf[l + 1, pl.ds(b0, 16)]
                a2 = buf[l + 2, pl.ds(b0, 16)]
                a3 = buf[l + 3, pl.ds(b0, 16)]
                ix = ((a0 * V + a1) * V + a2) * V + a3
                return acc + plsc.load_gather(lut4, [ix])

            acc = lax.fori_loop(0, L // PAIR_STEP, col_body,
                                jnp.zeros((16,), jnp.float32), unroll=5)
            z = acc + bias
            outv[pl.ds(chunk * CB + b0, 16)] = 1.0 / (1.0 + jnp.exp(-z))
            return carry
        return group_body

    copies = [None] * NCHUNK
    copies[0] = pltpu.async_copy(
        xt_hbm.at[:, pl.ds(base, CB)], xv.at[0], sems.at[0])
    for c in range(NCHUNK):
        if c + 1 < NCHUNK:
            copies[c + 1] = pltpu.async_copy(
                xt_hbm.at[:, pl.ds(base + (c + 1) * CB, CB)],
                xv.at[(c + 1) % 2], sems.at[(c + 1) % 2])
        copies[c].wait()
        lax.fori_loop(0, CB // 16, make_chunk_compute(xv.at[c % 2], c), 0)

    pltpu.sync_copy(outv, out_hbm.at[pl.ds(base, RPW)])


@functools.partial(
    pl.kernel,
    out_type=jax.ShapeDtypeStruct((B,), jnp.float32),
    mesh=plsc.VectorSubcoreMesh(core_axis_name="c", subcore_axis_name="s"),
    scratch_types=[
        pltpu.VMEM((2, L, CB), jnp.int32),
        pltpu.VMEM((16,), jnp.float32),
        pltpu.VMEM((64,), jnp.float32),
        pltpu.VMEM((NL4 * 16,), jnp.float32),
        pltpu.VMEM((RPW,), jnp.float32),
        pltpu.VMEM((48,), jnp.float32),
        pltpu.SemaphoreType.DMA((2,)),
    ],
    compiler_params=pltpu.CompilerParams(
        needs_layout_passes=False, disable_bounds_checks=True),
)
def _shadow_sc(*args):
    _sc_body(*args)


def kernel(x, table, W, b):
    params = jnp.concatenate([table.reshape(-1), W.reshape(-1), b])
    params = jnp.pad(params, (0, 48 - params.shape[0]))
    out = _shadow_sc(x.T, params)
    return out.reshape(B, 1)

# --- scband reference (transcript-rebuilt; emitter-appended) ---
"""Pipeline reference for scband-shadow-sentiment-56667798503690 (READ-ONLY COPY).

The authoritative reference and input builder live on the scoring server;
editing this copy changes nothing except your own understanding.
"""

import jax, jax.numpy as jnp
import numpy as np


def setup_inputs(seed: int = 0) -> dict:
    key = jax.random.key(seed)
    k1, k2, k3, k4 = jax.random.split(key, 4)
    x = jax.random.randint(k1, (16384, 200), 0, 7, dtype=jnp.int64 if jax.config.jax_enable_x64 else jnp.int32)
    table = jax.random.normal(k2, (7, 4), dtype=jnp.float32)
    W = jax.random.normal(k3, (4, 1), dtype=jnp.float32) * 0.5
    b = jax.random.normal(k4, (1,), dtype=jnp.float32) * 0.1
    return {"x": x, "table": table, "W": W, "b": b}


def reference(x, table, W, b):
    # embedding lookup: gather rows of table by index
    emb = jnp.take(table, x, axis=0)          # [B, L, 4]
    pooled = emb.mean(axis=1)                 # [B, 4]
    logits = pooled @ W + b                   # [B, 1]
    return jax.nn.sigmoid(logits)

if __name__ == "__main__":
    import jax
    _d = setup_inputs()
    print(jax.jit(kernel)(*tuple(_d.values())))

</pallas_src>

<mosaic_0001>
#map = affine_map<(d0, d1) -> (0, 0)>
#map1 = affine_map<(d0, d1) -> (0)>
module attributes {stable_mosaic.version = 14 : i64} {
  func.func @_shadow_sc(%arg0: i32, %arg1: i32, %arg2: memref<200x16384xi32, #tpu.memory_space<hbm>>, %arg3: memref<48xf32, #tpu.memory_space<hbm>>, %arg4: memref<16384xf32, #tpu.memory_space<hbm>>, %arg5: memref<2x200x128xi32, #tpu.memory_space<vmem>>, %arg6: memref<16xf32, #tpu.memory_space<vmem>>, %arg7: memref<64xf32, #tpu.memory_space<vmem>>, %arg8: memref<2416xf32, #tpu.memory_space<vmem>>, %arg9: memref<512xf32, #tpu.memory_space<vmem>>, %arg10: memref<48xf32, #tpu.memory_space<vmem>>, %arg11: memref<2x!tpu.dma_semaphore, #tpu.memory_space<semaphore_mem>>) attributes {dimension_semantics = [#tpu.dimension_semantics<core_parallel>, #tpu.dimension_semantics<subcore_parallel>], iteration_bounds = array<i64: 2, 16>, scalar_prefetch = 0 : i64, scratch_operands = 7 : i64, tpu.core_type = #tpu.core_type<sc_vector_subcore>, window_params = [{transform_indices = #map}, {transform_indices = #map1}, {transform_indices = #map1}]} {
    %mul3A = arith.constant 2 : i32
    %mul3A_0 = arith.muli %arg1, %mul3A : i32
    %add3A = arith.addi %mul3A_0, %arg0 : i32
    %mul3A_1 = arith.constant 512 : i32
    %mul3A_2 = arith.muli %add3A, %mul3A_1 : i32
    "tpu.region"() ({
      %run_scoped3A = tpu.sem_alloc : memref<!tpu.dma_semaphore, #tpu.memory_space<semaphore_mem>>
      tpu.enqueue_dma source(%arg3 : memref<48xf32, #tpu.memory_space<hbm>>) target(%arg10 : memref<48xf32, #tpu.memory_space<vmem>>) target_semaphore(%run_scoped3A : memref<!tpu.dma_semaphore, #tpu.memory_space<semaphore_mem>>)
      tpu.wait_dma2 semaphore(%run_scoped3A : memref<!tpu.dma_semaphore, #tpu.memory_space<semaphore_mem>>) src(%arg3 : memref<48xf32, #tpu.memory_space<hbm>>) dst(%arg10 : memref<48xf32, #tpu.memory_space<vmem>>)
      tpu.yield
    }) : () -> ()
    %iota3A = tpu.iota {dimensions = array<i32: 0>} : vector<16xi32>
    %min3A = arith.constant 6 : i32
    %min3A_3 = vector.broadcast %min3A : i32 to vector<16xi32>
    %min3A_4 = arith.minsi %iota3A, %min3A_3 : vector<16xi32>
    %mul3A_5 = arith.constant 4 : i32
    %mul3A_6 = vector.broadcast %mul3A_5 : i32 to vector<16xi32>
    %mul3A_7 = arith.muli %min3A_4, %mul3A_6 : vector<16xi32>
    %broadcast_in_dim3A = arith.constant 0.000000e+00 : f32
    %broadcast_in_dim3A_8 = vector.broadcast %broadcast_in_dim3A : f32 to vector<16xf32>
    %add3A_9 = arith.constant 0 : i32
    %add3A_10 = vector.broadcast %add3A_9 : i32 to vector<16xi32>
    %add3A_11 = arith.addi %mul3A_7, %add3A_10 : vector<16xi32>
    %gather3A = tpu.vector_load_idx %arg10[%add3A_11] : memref<48xf32, #tpu.memory_space<vmem>>[vector<16xi32>], vector<16xf32>,
    %broadcast_in_dim3A_12 = arith.constant 28 : i32
    %broadcast_in_dim3A_13 = vector.broadcast %broadcast_in_dim3A_12 : i32 to vector<16xi32>
    %gather3A_14 = tpu.vector_load_idx %arg10[%broadcast_in_dim3A_13] : memref<48xf32, #tpu.memory_space<vmem>>[vector<16xi32>], vector<16xf32>,
    %mul3A_15 = arith.mulf %gather3A, %gather3A_14 : vector<16xf32>
    %add3A_16 = arith.addf %broadcast_in_dim3A_8, %mul3A_15 : vector<16xf32>
    %add3A_17 = arith.constant 1 : i32
    %add3A_18 = vector.broadcast %add3A_17 : i32 to vector<16xi32>
    %add3A_19 = arith.addi %mul3A_7, %add3A_18 : vector<16xi32>
    %gather3A_20 = tpu.vector_load_idx %arg10[%add3A_19] : memref<48xf32, #tpu.memory_space<vmem>>[vector<16xi32>], vector<16xf32>,
    %broadcast_in_dim3A_21 = arith.constant 29 : i32
    %broadcast_in_dim3A_22 = vector.broadcast %broadcast_in_dim3A_21 : i32 to vector<16xi32>
    %gather3A_23 = tpu.vector_load_idx %arg10[%broadcast_in_dim3A_22] : memref<48xf32, #tpu.memory_space<vmem>>[vector<16xi32>], vector<16xf32>,
    %mul3A_24 = arith.mulf %gather3A_20, %gather3A_23 : vector<16xf32>
    %add3A_25 = arith.addf %add3A_16, %mul3A_24 : vector<16xf32>
    %add3A_26 = arith.constant 2 : i32
    %add3A_27 = vector.broadcast %add3A_26 : i32 to vector<16xi32>
    %add3A_28 = arith.addi %mul3A_7, %add3A_27 : vector<16xi32>
    %gather3A_29 = tpu.vector_load_idx %arg10[%add3A_28] : memref<48xf32, #tpu.memory_space<vmem>>[vector<16xi32>], vector<16xf32>,
    %broadcast_in_dim3A_30 = arith.constant 30 : i32
    %broadcast_in_dim3A_31 = vector.broadcast %broadcast_in_dim3A_30 : i32 to vector<16xi32>
    %gather3A_32 = tpu.vector_load_idx %arg10[%broadcast_in_dim3A_31] : memref<48xf32, #tpu.memory_space<vmem>>[vector<16xi32>], vector<16xf32>,
    %mul3A_33 = arith.mulf %gather3A_29, %gather3A_32 : vector<16xf32>
    %add3A_34 = arith.addf %add3A_25, %mul3A_33 : vector<16xf32>
    %add3A_35 = arith.constant 3 : i32
    %add3A_36 = vector.broadcast %add3A_35 : i32 to vector<16xi32>
    %add3A_37 = arith.addi %mul3A_7, %add3A_36 : vector<16xi32>
    %gather3A_38 = tpu.vector_load_idx %arg10[%add3A_37] : memref<48xf32, #tpu.memory_space<vmem>>[vector<16xi32>], vector<16xf32>,
    %broadcast_in_dim3A_39 = arith.constant 31 : i32
    %broadcast_in_dim3A_40 = vector.broadcast %broadcast_in_dim3A_39 : i32 to vector<16xi32>
    %gather3A_41 = tpu.vector_load_idx %arg10[%broadcast_in_dim3A_40] : memref<48xf32, #tpu.memory_space<vmem>>[vector<16xi32>], vector<16xf32>,
    %mul3A_42 = arith.mulf %gather3A_38, %gather3A_41 : vector<16xf32>
    %add3A_43 = arith.addf %add3A_34, %mul3A_42 : vector<16xf32>
    %mul3A_44 = arith.constant 5.000000e-03 : f32
    %mul3A_45 = vector.broadcast %mul3A_44 : f32 to vector<16xf32>
    %mul3A_46 = arith.mulf %add3A_43, %mul3A_45 : vector<16xf32>
    %swap3A = arith.constant 0 : index
    %swap3A_47 = tpu.vector_load %arg6[%swap3A] {strides = array<i32>} : memref<16xf32, #tpu.memory_space<vmem>>, vector<16xf32>,
    tpu.vector_store %arg6[%swap3A], %mul3A_46 {strides = array<i32>} : memref<16xf32, #tpu.memory_space<vmem>>, vector<16xf32>,
    %broadcast_in_dim3A_48 = arith.constant 32 : i32
    %broadcast_in_dim3A_49 = vector.broadcast %broadcast_in_dim3A_48 : i32 to vector<16xi32>
    %gather3A_50 = tpu.vector_load_idx %arg10[%broadcast_in_dim3A_49] : memref<48xf32, #tpu.memory_space<vmem>>[vector<16xi32>], vector<16xf32>,
    %add3A_51 = arith.constant 0 : i32
    %add3A_52 = vector.broadcast %add3A_51 : i32 to vector<16xi32>
    %add3A_53 = arith.addi %iota3A, %add3A_52 : vector<16xi32>
    %jit3A = arith.constant 7 : i32
    %div3A = vector.broadcast %jit3A : i32 to vector<16xi32>
    %div3A_54 = arith.divsi %add3A_53, %div3A : vector<16xi32>
    %sign3A = arith.constant 0 : i32
    %sign3A_55 = vector.broadcast %sign3A : i32 to vector<16xi32>
    %sign3A_56 = arith.cmpi sgt, %add3A_53, %sign3A_55 : vector<16xi32>
    %sign3A_57 = arith.extui %sign3A_56 : vector<16xi1> to vector<16xi32>
    %sign3A_58 = arith.constant 0 : i32
    %sign3A_59 = vector.broadcast %sign3A_58 : i32 to vector<16xi32>
    %sign3A_60 = arith.cmpi slt, %add3A_53, %sign3A_59 : vector<16xi32>
    %sign3A_61 = arith.extui %sign3A_60 : vector<16xi1> to vector<16xi32>
    %sign3A_62 = arith.subi %sign3A_57, %sign3A_61 : vector<16xi32>
    %sign3A_63 = arith.constant 0 : i32
    %sign3A_64 = arith.cmpi sgt, %jit3A, %sign3A_63 : i32
    %sign3A_65 = arith.extui %sign3A_64 : i1 to i32
    %sign3A_66 = arith.constant 0 : i32
    %sign3A_67 = arith.cmpi slt, %jit3A, %sign3A_66 : i32
    %sign3A_68 = arith.extui %sign3A_67 : i1 to i32
    %sign3A_69 = arith.subi %sign3A_65, %sign3A_68 : i32
    %ne3A = vector.broadcast %sign3A_69 : i32 to vector<16xi32>
    %ne3A_70 = arith.cmpi ne, %sign3A_62, %ne3A : vector<16xi32>
    %rem3A = vector.broadcast %jit3A : i32 to vector<16xi32>
    %rem3A_71 = arith.remsi %add3A_53, %rem3A : vector<16xi32>
    %ne3A_72 = arith.constant 0 : i32
    %ne3A_73 = vector.broadcast %ne3A_72 : i32 to vector<16xi32>
    %ne3A_74 = arith.cmpi ne, %rem3A_71, %ne3A_73 : vector<16xi32>
    %and3A = arith.andi %ne3A_70, %ne3A_74 : vector<16xi1>
    %sub3A = arith.constant 1 : i32
    %sub3A_75 = vector.broadcast %sub3A : i32 to vector<16xi32>
    %sub3A_76 = arith.subi %div3A_54, %sub3A_75 : vector<16xi32>
    %select_n3A = arith.select %and3A, %sub3A_76, %div3A_54 : vector<16xi1>, vector<16xi32>
    %gather3A_77 = tpu.vector_load_idx %arg6[%select_n3A] : memref<16xf32, #tpu.memory_space<vmem>>[vector<16xi32>], vector<16xf32>,
    %jit3A_78 = arith.constant 7 : i32
    %eq3A = arith.constant 0 : i32
    %eq3A_79 = arith.cmpi eq, %jit3A_78, %eq3A : i32
    %jit3A_80 = arith.constant 1 : i32
    %select_n3A_81 = arith.select %eq3A_79, %jit3A_80, %jit3A_78 : i32
    %rem3A_82 = vector.broadcast %select_n3A_81 : i32 to vector<16xi32>
    %rem3A_83 = arith.remsi %add3A_53, %rem3A_82 : vector<16xi32>
    %ne3A_84 = arith.constant 0 : i32
    %ne3A_85 = vector.broadcast %ne3A_84 : i32 to vector<16xi32>
    %ne3A_86 = arith.cmpi ne, %rem3A_83, %ne3A_85 : vector<16xi32>
    %lt3A = arith.constant 0 : i32
    %lt3A_87 = vector.broadcast %lt3A : i32 to vector<16xi32>
    %lt3A_88 = arith.cmpi slt, %rem3A_83, %lt3A_87 : vector<16xi32>
    %lt3A_89 = arith.constant 0 : i32
    %lt3A_90 = arith.cmpi slt, %select_n3A_81, %lt3A_89 : i32
    %ne3A_91 = vector.broadcast %lt3A_90 : i1 to vector<16xi1>
    %ne3A_92 = vector.broadcast %ne3A_91 : vector<16xi1> to vector<16xi1>
    %ne3A_93 = arith.xori %lt3A_88, %ne3A_92 : vector<16xi1>
    %and3A_94 = arith.andi %ne3A_93, %ne3A_86 : vector<16xi1>
    %add3A_95 = vector.broadcast %select_n3A_81 : i32 to vector<16xi32>
    %add3A_96 = arith.addi %rem3A_83, %add3A_95 : vector<16xi32>
    %select_n3A_97 = arith.select %and3A_94, %add3A_96, %rem3A_83 : vector<16xi1>, vector<16xi32>
    %gather3A_98 = tpu.vector_load_idx %arg6[%select_n3A_97] : memref<16xf32, #tpu.memory_space<vmem>>[vector<16xi32>], vector<16xf32>,
    %add3A_99 = arith.addf %gather3A_77, %gather3A_98 : vector<16xf32>
    %swap3A_100 = arith.constant 0 : index
    %swap3A_101 = tpu.vector_load %arg7[%swap3A_100] {strides = array<i32>} : memref<64xf32, #tpu.memory_space<vmem>>, vector<16xf32>,
    tpu.vector_store %arg7[%swap3A_100], %add3A_99 {strides = array<i32>} : memref<64xf32, #tpu.memory_space<vmem>>, vector<16xf32>,
    %add3A_102 = arith.constant 16 : i32
    %add3A_103 = vector.broadcast %add3A_102 : i32 to vector<16xi32>
    %add3A_104 = arith.addi %iota3A, %add3A_103 : vector<16xi32>
    %jit3A_105 = arith.constant 7 : i32
    %div3A_106 = vector.broadcast %jit3A_105 : i32 to vector<16xi32>
    %div3A_107 = arith.divsi %add3A_104, %div3A_106 : vector<16xi32>
    %sign3A_108 = arith.constant 0 : i32
    %sign3A_109 = vector.broadcast %sign3A_108 : i32 to vector<16xi32>
    %sign3A_110 = arith.cmpi sgt, %add3A_104, %sign3A_109 : vector<16xi32>
    %sign3A_111 = arith.extui %sign3A_110 : vector<16xi1> to vector<16xi32>
    %sign3A_112 = arith.constant 0 : i32
    %sign3A_113 = vector.broadcast %sign3A_112 : i32 to vector<16xi32>
    %sign3A_114 = arith.cmpi slt, %add3A_104, %sign3A_113 : vector<16xi32>
    %sign3A_115 = arith.extui %sign3A_114 : vector<16xi1> to vector<16xi32>
    %sign3A_116 = arith.subi %sign3A_111, %sign3A_115 : vector<16xi32>
    %sign3A_117 = arith.constant 0 : i32
    %sign3A_118 = arith.cmpi sgt, %jit3A_105, %sign3A_117 : i32
    %sign3A_119 = arith.extui %sign3A_118 : i1 to i32
    %sign3A_120 = arith.constant 0 : i32
    %sign3A_121 = arith.cmpi slt, %jit3A_105, %sign3A_120 : i32
    %sign3A_122 = arith.extui %sign3A_121 : i1 to i32
    %sign3A_123 = arith.subi %sign3A_119, %sign3A_122 : i32
    %ne3A_124 = vector.broadcast %sign3A_123 : i32 to vector<16xi32>
    %ne3A_125 = arith.cmpi ne, %sign3A_116, %ne3A_124 : vector<16xi32>
    %rem3A_126 = vector.broadcast %jit3A_105 : i32 to vector<16xi32>
    %rem3A_127 = arith.remsi %add3A_104, %rem3A_126 : vector<16xi32>
    %ne3A_128 = arith.constant 0 : i32
    %ne3A_129 = vector.broadcast %ne3A_128 : i32 to vector<16xi32>
    %ne3A_130 = arith.cmpi ne, %rem3A_127, %ne3A_129 : vector<16xi32>
    %and3A_131 = arith.andi %ne3A_125, %ne3A_130 : vector<16xi1>
    %sub3A_132 = arith.constant 1 : i32
    %sub3A_133 = vector.broadcast %sub3A_132 : i32 to vector<16xi32>
    %sub3A_134 = arith.subi %div3A_107, %sub3A_133 : vector<16xi32>
    %select_n3A_135 = arith.select %and3A_131, %sub3A_134, %div3A_107 : vector<16xi1>, vector<16xi32>
    %gather3A_136 = tpu.vector_load_idx %arg6[%select_n3A_135] : memref<16xf32, #tpu.memory_space<vmem>>[vector<16xi32>], vector<16xf32>,
    %jit3A_137 = arith.constant 7 : i32
    %eq3A_138 = arith.constant 0 : i32
    %eq3A_139 = arith.cmpi eq, %jit3A_137, %eq3A_138 : i32
    %jit3A_140 = arith.constant 1 : i32
    %select_n3A_141 = arith.select %eq3A_139, %jit3A_140, %jit3A_137 : i32
    %rem3A_142 = vector.broadcast %select_n3A_141 : i32 to vector<16xi32>
    %rem3A_143 = arith.remsi %add3A_104, %rem3A_142 : vector<16xi32>
    %ne3A_144 = arith.constant 0 : i32
    %ne3A_145 = vector.broadcast %ne3A_144 : i32 to vector<16xi32>
    %ne3A_146 = arith.cmpi ne, %rem3A_143, %ne3A_145 : vector<16xi32>
    %lt3A_147 = arith.constant 0 : i32
    %lt3A_148 = vector.broadcast %lt3A_147 : i32 to vector<16xi32>
    %lt3A_149 = arith.cmpi slt, %rem3A_143, %lt3A_148 : vector<16xi32>
    %lt3A_150 = arith.constant 0 : i32
    %lt3A_151 = arith.cmpi slt, %select_n3A_141, %lt3A_150 : i32
    %ne3A_152 = vector.broadcast %lt3A_151 : i1 to vector<16xi1>
    %ne3A_153 = vector.broadcast %ne3A_152 : vector<16xi1> to vector<16xi1>
    %ne3A_154 = arith.xori %lt3A_149, %ne3A_153 : vector<16xi1>
    %and3A_155 = arith.andi %ne3A_154, %ne3A_146 : vector<16xi1>
    %add3A_156 = vector.broadcast %select_n3A_141 : i32 to vector<16xi32>
    %add3A_157 = arith.addi %rem3A_143, %add3A_156 : vector<16xi32>
    %select_n3A_158 = arith.select %and3A_155, %add3A_157, %rem3A_143 : vector<16xi1>, vector<16xi32>
    %gather3A_159 = tpu.vector_load_idx %arg6[%select_n3A_158] : memref<16xf32, #tpu.memory_space<vmem>>[vector<16xi32>], vector<16xf32>,
    %add3A_160 = arith.addf %gather3A_136, %gather3A_159 : vector<16xf32>
    %swap3A_161 = arith.constant 16 : index
    %swap3A_162 = tpu.vector_load %arg7[%swap3A_161] {strides = array<i32>} : memref<64xf32, #tpu.memory_space<vmem>>, vector<16xf32>,
    tpu.vector_store %arg7[%swap3A_161], %add3A_160 {strides = array<i32>} : memref<64xf32, #tpu.memory_space<vmem>>, vector<16xf32>,
    %add3A_163 = arith.constant 32 : i32
    %add3A_164 = vector.broadcast %add3A_163 : i32 to vector<16xi32>
    %add3A_165 = arith.addi %iota3A, %add3A_164 : vector<16xi32>
    %jit3A_166 = arith.constant 7 : i32
    %div3A_167 = vector.broadcast %jit3A_166 : i32 to vector<16xi32>
    %div3A_168 = arith.divsi %add3A_165, %div3A_167 : vector<16xi32>
    %sign3A_169 = arith.constant 0 : i32
    %sign3A_170 = vector.broadcast %sign3A_169 : i32 to vector<16xi32>
    %sign3A_171 = arith.cmpi sgt, %add3A_165, %sign3A_170 : vector<16xi32>
    %sign3A_172 = arith.extui %sign3A_171 : vector<16xi1> to vector<16xi32>
    %sign3A_173 = arith.constant 0 : i32
    %sign3A_174 = vector.broadcast %sign3A_173 : i32 to vector<16xi32>
    %sign3A_175 = arith.cmpi slt, %add3A_165, %sign3A_174 : vector<16xi32>
    %sign3A_176 = arith.extui %sign3A_175 : vector<16xi1> to vector<16xi32>
    %sign3A_177 = arith.subi %sign3A_172, %sign3A_176 : vector<16xi32>
    %sign3A_178 = arith.constant 0 : i32
    %sign3A_179 = arith.cmpi sgt, %jit3A_166, %sign3A_178 : i32
    %sign3A_180 = arith.extui %sign3A_179 : i1 to i32
    %sign3A_181 = arith.constant 0 : i32
    %sign3A_182 = arith.cmpi slt, %jit3A_166, %sign3A_181 : i32
    %sign3A_183 = arith.extui %sign3A_182 : i1 to i32
    %sign3A_184 = arith.subi %sign3A_180, %sign3A_183 : i32
    %ne3A_185 = vector.broadcast %sign3A_184 : i32 to vector<16xi32>
    %ne3A_186 = arith.cmpi ne, %sign3A_177, %ne3A_185 : vector<16xi32>
    %rem3A_187 = vector.broadcast %jit3A_166 : i32 to vector<16xi32>
    %rem3A_188 = arith.remsi %add3A_165, %rem3A_187 : vector<16xi32>
    %ne3A_189 = arith.constant 0 : i32
    %ne3A_190 = vector.broadcast %ne3A_189 : i32 to vector<16xi32>
    %ne3A_191 = arith.cmpi ne, %rem3A_188, %ne3A_190 : vector<16xi32>
    %and3A_192 = arith.andi %ne3A_186, %ne3A_191 : vector<16xi1>
    %sub3A_193 = arith.constant 1 : i32
    %sub3A_194 = vector.broadcast %sub3A_193 : i32 to vector<16xi32>
    %sub3A_195 = arith.subi %div3A_168, %sub3A_194 : vector<16xi32>
    %select_n3A_196 = arith.select %and3A_192, %sub3A_195, %div3A_168 : vector<16xi1>, vector<16xi32>
    %gather3A_197 = tpu.vector_load_idx %arg6[%select_n3A_196] : memref<16xf32, #tpu.memory_space<vmem>>[vector<16xi32>], vector<16xf32>,
    %jit3A_198 = arith.constant 7 : i32
    %eq3A_199 = arith.constant 0 : i32
    %eq3A_200 = arith.cmpi eq, %jit3A_198, %eq3A_199 : i32
    %jit3A_201 = arith.constant 1 : i32
    %select_n3A_202 = arith.select %eq3A_200, %jit3A_201, %jit3A_198 : i32
    %rem3A_203 = vector.broadcast %select_n3A_202 : i32 to vector<16xi32>
    %rem3A_204 = arith.remsi %add3A_165, %rem3A_203 : vector<16xi32>
    %ne3A_205 = arith.constant 0 : i32
    %ne3A_206 = vector.broadcast %ne3A_205 : i32 to vector<16xi32>
    %ne3A_207 = arith.cmpi ne, %rem3A_204, %ne3A_206 : vector<16xi32>
    %lt3A_208 = arith.constant 0 : i32
    %lt3A_209 = vector.broadcast %lt3A_208 : i32 to vector<16xi32>
    %lt3A_210 = arith.cmpi slt, %rem3A_204, %lt3A_209 : vector<16xi32>
    %lt3A_211 = arith.constant 0 : i32
    %lt3A_212 = arith.cmpi slt, %select_n3A_202, %lt3A_211 : i32
    %ne3A_213 = vector.broadcast %lt3A_212 : i1 to vector<16xi1>
    %ne3A_214 = vector.broadcast %ne3A_213 : vector<16xi1> to vector<16xi1>
    %ne3A_215 = arith.xori %lt3A_210, %ne3A_214 : vector<16xi1>
    %and3A_216 = arith.andi %ne3A_215, %ne3A_207 : vector<16xi1>
    %add3A_217 = vector.broadcast %select_n3A_202 : i32 to vector<16xi32>
    %add3A_218 = arith.addi %rem3A_204, %add3A_217 : vector<16xi32>
    %select_n3A_219 = arith.select %and3A_216, %add3A_218, %rem3A_204 : vector<16xi1>, vector<16xi32>
    %gather3A_220 = tpu.vector_load_idx %arg6[%select_n3A_219] : memref<16xf32, #tpu.memory_space<vmem>>[vector<16xi32>], vector<16xf32>,
    %add3A_221 = arith.addf %gather3A_197, %gather3A_220 : vector<16xf32>
    %swap3A_222 = arith.constant 32 : index
    %swap3A_223 = tpu.vector_load %arg7[%swap3A_222] {strides = array<i32>} : memref<64xf32, #tpu.memory_space<vmem>>, vector<16xf32>,
    tpu.vector_store %arg7[%swap3A_222], %add3A_221 {strides = array<i32>} : memref<64xf32, #tpu.memory_space<vmem>>, vector<16xf32>,
    %add3A_224 = arith.constant 48 : i32
    %add3A_225 = vector.broadcast %add3A_224 : i32 to vector<16xi32>
    %add3A_226 = arith.addi %iota3A, %add3A_225 : vector<16xi32>
    %jit3A_227 = arith.constant 7 : i32
    %div3A_228 = vector.broadcast %jit3A_227 : i32 to vector<16xi32>
    %div3A_229 = arith.divsi %add3A_226, %div3A_228 : vector<16xi32>
    %sign3A_230 = arith.constant 0 : i32
    %sign3A_231 = vector.broadcast %sign3A_230 : i32 to vector<16xi32>
    %sign3A_232 = arith.cmpi sgt, %add3A_226, %sign3A_231 : vector<16xi32>
    %sign3A_233 = arith.extui %sign3A_232 : vector<16xi1> to vector<16xi32>
    %sign3A_234 = arith.constant 0 : i32
    %sign3A_235 = vector.broadcast %sign3A_234 : i32 to vector<16xi32>
    %sign3A_236 = arith.cmpi slt, %add3A_226, %sign3A_235 : vector<16xi32>
    %sign3A_237 = arith.extui %sign3A_236 : vector<16xi1> to vector<16xi32>
    %sign3A_238 = arith.subi %sign3A_233, %sign3A_237 : vector<16xi32>
    %sign3A_239 = arith.constant 0 : i32
    %sign3A_240 = arith.cmpi sgt, %jit3A_227, %sign3A_239 : i32
    %sign3A_241 = arith.extui %sign3A_240 : i1 to i32
    %sign3A_242 = arith.constant 0 : i32
    %sign3A_243 = arith.cmpi slt, %jit3A_227, %sign3A_242 : i32
    %sign3A_244 = arith.extui %sign3A_243 : i1 to i32
    %sign3A_245 = arith.subi %sign3A_241, %sign3A_244 : i32
    %ne3A_246 = vector.broadcast %sign3A_245 : i32 to vector<16xi32>
    %ne3A_247 = arith.cmpi ne, %sign3A_238, %ne3A_246 : vector<16xi32>
    %rem3A_248 = vector.broadcast %jit3A_227 : i32 to vector<16xi32>
    %rem3A_249 = arith.remsi %add3A_226, %rem3A_248 : vector<16xi32>
    %ne3A_250 = arith.constant 0 : i32
    %ne3A_251 = vector.broadcast %ne3A_250 : i32 to vector<16xi32>
    %ne3A_252 = arith.cmpi ne, %rem3A_249, %ne3A_251 : vector<16xi32>
    %and3A_253 = arith.andi %ne3A_247, %ne3A_252 : vector<16xi1>
    %sub3A_254 = arith.constant 1 : i32
    %sub3A_255 = vector.broadcast %sub3A_254 : i32 to vector<16xi32>
    %sub3A_256 = arith.subi %div3A_229, %sub3A_255 : vector<16xi32>
    %select_n3A_257 = arith.select %and3A_253, %sub3A_256, %div3A_229 : vector<16xi1>, vector<16xi32>
    %gather3A_258 = tpu.vector_load_idx %arg6[%select_n3A_257] : memref<16xf32, #tpu.memory_space<vmem>>[vector<16xi32>], vector<16xf32>,
    %jit3A_259 = arith.constant 7 : i32
    %eq3A_260 = arith.constant 0 : i32
    %eq3A_261 = arith.cmpi eq, %jit3A_259, %eq3A_260 : i32
    %jit3A_262 = arith.constant 1 : i32
    %select_n3A_263 = arith.select %eq3A_261, %jit3A_262, %jit3A_259 : i32
    %rem3A_264 = vector.broadcast %select_n3A_263 : i32 to vector<16xi32>
    %rem3A_265 = arith.remsi %add3A_226, %rem3A_264 : vector<16xi32>
    %ne3A_266 = arith.constant 0 : i32
    %ne3A_267 = vector.broadcast %ne3A_266 : i32 to vector<16xi32>
    %ne3A_268 = arith.cmpi ne, %rem3A_265, %ne3A_267 : vector<16xi32>
    %lt3A_269 = arith.constant 0 : i32
    %lt3A_270 = vector.broadcast %lt3A_269 : i32 to vector<16xi32>
    %lt3A_271 = arith.cmpi slt, %rem3A_265, %lt3A_270 : vector<16xi32>
    %lt3A_272 = arith.constant 0 : i32
    %lt3A_273 = arith.cmpi slt, %select_n3A_263, %lt3A_272 : i32
    %ne3A_274 = vector.broadcast %lt3A_273 : i1 to vector<16xi1>
    %ne3A_275 = vector.broadcast %ne3A_274 : vector<16xi1> to vector<16xi1>
    %ne3A_276 = arith.xori %lt3A_271, %ne3A_275 : vector<16xi1>
    %and3A_277 = arith.andi %ne3A_276, %ne3A_268 : vector<16xi1>
    %add3A_278 = vector.broadcast %select_n3A_263 : i32 to vector<16xi32>
    %add3A_279 = arith.addi %rem3A_265, %add3A_278 : vector<16xi32>
    %select_n3A_280 = arith.select %and3A_277, %add3A_279, %rem3A_265 : vector<16xi1>, vector<16xi32>
    %gather3A_281 = tpu.vector_load_idx %arg6[%select_n3A_280] : memref<16xf32, #tpu.memory_space<vmem>>[vector<16xi32>], vector<16xf32>,
    %add3A_282 = arith.addf %gather3A_258, %gather3A_281 : vector<16xf32>
    %swap3A_283 = arith.constant 48 : index
    %swap3A_284 = tpu.vector_load %arg7[%swap3A_283] {strides = array<i32>} : memref<64xf32, #tpu.memory_space<vmem>>, vector<16xf32>,
    tpu.vector_store %arg7[%swap3A_283], %add3A_282 {strides = array<i32>} : memref<64xf32, #tpu.memory_space<vmem>>, vector<16xf32>,
    %scan3A = arith.constant 0 : i32
    %scan3A_285 = arith.constant 0 : i32
    %scan3A_286 = arith.constant 151 : i32
    %scan3A_287 = arith.addi %scan3A_285, %scan3A_286 : i32
    %scan3A_288 = arith.constant 1 : i32
    scf.for %scan3A_450 = %scan3A_285 to %scan3A_287 step %scan3A_288  : i32 {
      %mul3A_451 = arith.constant 16 : i32
      %mul3A_452 = arith.muli %scan3A_450, %mul3A_451 : i32
      %add3A_453 = vector.broadcast %mul3A_452 : i32 to vector<16xi32>
      %add3A_454 = arith.addi %iota3A, %add3A_453 : vector<16xi32>
      %jit3A_455 = arith.constant 49 : i32
      %div3A_456 = vector.broadcast %jit3A_455 : i32 to vector<16xi32>
      %div3A_457 = arith.divsi %add3A_454, %div3A_456 : vector<16xi32>
      %sign3A_458 = arith.constant 0 : i32
      %sign3A_459 = vector.broadcast %sign3A_458 : i32 to vector<16xi32>
      %sign3A_460 = arith.cmpi sgt, %add3A_454, %sign3A_459 : vector<16xi32>
      %sign3A_461 = arith.extui %sign3A_460 : vector<16xi1> to vector<16xi32>
      %sign3A_462 = arith.constant 0 : i32
      %sign3A_463 = vector.broadcast %sign3A_462 : i32 to vector<16xi32>
      %sign3A_464 = arith.cmpi slt, %add3A_454, %sign3A_463 : vector<16xi32>
      %sign3A_465 = arith.extui %sign3A_464 : vector<16xi1> to vector<16xi32>
      %sign3A_466 = arith.subi %sign3A_461, %sign3A_465 : vector<16xi32>
      %sign3A_467 = arith.constant 0 : i32
      %sign3A_468 = arith.cmpi sgt, %jit3A_455, %sign3A_467 : i32
      %sign3A_469 = arith.extui %sign3A_468 : i1 to i32
      %sign3A_470 = arith.constant 0 : i32
      %sign3A_471 = arith.cmpi slt, %jit3A_455, %sign3A_470 : i32
      %sign3A_472 = arith.extui %sign3A_471 : i1 to i32
      %sign3A_473 = arith.subi %sign3A_469, %sign3A_472 : i32
      %ne3A_474 = vector.broadcast %sign3A_473 : i32 to vector<16xi32>
      %ne3A_475 = arith.cmpi ne, %sign3A_466, %ne3A_474 : vector<16xi32>
      %rem3A_476 = vector.broadcast %jit3A_455 : i32 to vector<16xi32>
      %rem3A_477 = arith.remsi %add3A_454, %rem3A_476 : vector<16xi32>
      %ne3A_478 = arith.constant 0 : i32
      %ne3A_479 = vector.broadcast %ne3A_478 : i32 to vector<16xi32>
      %ne3A_480 = arith.cmpi ne, %rem3A_477, %ne3A_479 : vector<16xi32>
      %and3A_481 = arith.andi %ne3A_475, %ne3A_480 : vector<16xi1>
      %sub3A_482 = arith.constant 1 : i32
      %sub3A_483 = vector.broadcast %sub3A_482 : i32 to vector<16xi32>
      %sub3A_484 = arith.subi %div3A_457, %sub3A_483 : vector<16xi32>
      %select_n3A_485 = arith.select %and3A_481, %sub3A_484, %div3A_457 : vector<16xi1>, vector<16xi32>
      %gather3A_486 = tpu.vector_load_idx %arg7[%select_n3A_485] : memref<64xf32, #tpu.memory_space<vmem>>[vector<16xi32>], vector<16xf32>,
      %jit3A_487 = arith.constant 49 : i32
      %eq3A_488 = arith.constant 0 : i32
      %eq3A_489 = arith.cmpi eq, %jit3A_487, %eq3A_488 : i32
      %jit3A_490 = arith.constant 1 : i32
      %select_n3A_491 = arith.select %eq3A_489, %jit3A_490, %jit3A_487 : i32
      %rem3A_492 = vector.broadcast %select_n3A_491 : i32 to vector<16xi32>
      %rem3A_493 = arith.remsi %add3A_454, %rem3A_492 : vector<16xi32>
      %ne3A_494 = arith.constant 0 : i32
      %ne3A_495 = vector.broadcast %ne3A_494 : i32 to vector<16xi32>
      %ne3A_496 = arith.cmpi ne, %rem3A_493, %ne3A_495 : vector<16xi32>
      %lt3A_497 = arith.constant 0 : i32
      %lt3A_498 = vector.broadcast %lt3A_497 : i32 to vector<16xi32>
      %lt3A_499 = arith.cmpi slt, %rem3A_493, %lt3A_498 : vector<16xi32>
      %lt3A_500 = arith.constant 0 : i32
      %lt3A_501 = arith.cmpi slt, %select_n3A_491, %lt3A_500 : i32
      %ne3A_502 = vector.broadcast %lt3A_501 : i1 to vector<16xi1>
      %ne3A_503 = vector.broadcast %ne3A_502 : vector<16xi1> to vector<16xi1>
      %ne3A_504 = arith.xori %lt3A_499, %ne3A_503 : vector<16xi1>
      %and3A_505 = arith.andi %ne3A_504, %ne3A_496 : vector<16xi1>
      %add3A_506 = vector.broadcast %select_n3A_491 : i32 to vector<16xi32>
      %add3A_507 = arith.addi %rem3A_493, %add3A_506 : vector<16xi32>
      %select_n3A_508 = arith.select %and3A_505, %add3A_507, %rem3A_493 : vector<16xi1>, vector<16xi32>
      %gather3A_509 = tpu.vector_load_idx %arg7[%select_n3A_508] : memref<64xf32, #tpu.memory_space<vmem>>[vector<16xi32>], vector<16xf32>,
      %add3A_510 = arith.addf %gather3A_486, %gather3A_509 : vector<16xf32>
      %mul3A_511 = arith.constant 16 : i32
      %mul3A_512 = arith.muli %scan3A_450, %mul3A_511 : i32
      %swap3A_513 = arith.index_cast %mul3A_512 : i32 to index
      %swap3A_514 = tpu.vector_load %arg8[%swap3A_513] {strides = array<i32>} : memref<2416xf32, #tpu.memory_space<vmem>>, vector<16xf32>,
      tpu.vector_store %arg8[%swap3A_513], %add3A_510 {strides = array<i32>} : memref<2416xf32, #tpu.memory_space<vmem>>, vector<16xf32>,
    }
    %scan3A_289 = arith.constant 151 : i32
    %dma_start3A = arith.constant 0 : i32
    %dma_start3A_290 = arith.constant 0 : i32
    %dma_start3A_291 = arith.constant 0 : i32
    %dma_start3A_292 = arith.constant 0 : i32
    %dma_start3A_293 = tpu.memref_slice %arg5[%dma_start3A, %dma_start3A_291, %dma_start3A_292] : memref<2x200x128xi32, #tpu.memory_space<vmem>> -> memref<1x200x128xi32, #tpu.memory_space<vmem>>
    %dma_start3A_294 = tpu.memref_squeeze %dma_start3A_293 : memref<1x200x128xi32, #tpu.memory_space<vmem>> -> memref<200x128xi32, #tpu.memory_space<vmem>>
    %dma_start3A_295 = arith.constant 0 : i32
    %dma_start3A_296 = tpu.memref_slice %arg2[%dma_start3A_295, %mul3A_2] : memref<200x16384xi32, #tpu.memory_space<hbm>> -> memref<200x128xi32, #tpu.memory_space<hbm>>
    %dma_start3A_297 = tpu.memref_slice %arg11[%dma_start3A_290] : memref<2x!tpu.dma_semaphore, #tpu.memory_space<semaphore_mem>> -> memref<1x!tpu.dma_semaphore, #tpu.memory_space<semaphore_mem>>
    %dma_start3A_298 = tpu.memref_squeeze %dma_start3A_297 : memref<1x!tpu.dma_semaphore, #tpu.memory_space<semaphore_mem>> -> memref<!tpu.dma_semaphore, #tpu.memory_space<semaphore_mem>>
    %dma_start3A_299 = arith.constant 0 : i32
    %dma_start3A_300 = arith.constant 0 : i32
    %dma_start3A_301 = tpu.memref_slice %arg5[%dma_start3A, %dma_start3A_299, %dma_start3A_300] : memref<2x200x128xi32, #tpu.memory_space<vmem>> -> memref<1x200x128xi32, #tpu.memory_space<vmem>>
    %dma_start3A_302 = tpu.memref_squeeze %dma_start3A_301 : memref<1x200x128xi32, #tpu.memory_space<vmem>> -> memref<200x128xi32, #tpu.memory_space<vmem>>
    %dma_start3A_303 = arith.constant 0 : i32
    %dma_start3A_304 = tpu.memref_slice %arg2[%dma_start3A_303, %mul3A_2] : memref<200x16384xi32, #tpu.memory_space<hbm>> -> memref<200x128xi32, #tpu.memory_space<hbm>>
    tpu.enqueue_dma source(%dma_start3A_304 : memref<200x128xi32, #tpu.memory_space<hbm>>) target(%dma_start3A_302 : memref<200x128xi32, #tpu.memory_space<vmem>>) target_semaphore(%dma_start3A_298 : memref<!tpu.dma_semaphore, #tpu.memory_space<semaphore_mem>>)
    %add3A_305 = arith.constant 128 : i32
    %add3A_306 = arith.addi %mul3A_2, %add3A_305 : i32
    %dma_start3A_307 = arith.constant 1 : i32
    %dma_start3A_308 = arith.constant 1 : i32
    %dma_start3A_309 = arith.constant 0 : i32
    %dma_start3A_310 = arith.constant 0 : i32
    %dma_start3A_311 = tpu.memref_slice %arg5[%dma_start3A_307, %dma_start3A_309, %dma_start3A_310] : memref<2x200x128xi32, #tpu.memory_space<vmem>> -> memref<1x200x128xi32, #tpu.memory_space<vmem>>
    %dma_start3A_312 = tpu.memref_squeeze %dma_start3A_311 : memref<1x200x128xi32, #tpu.memory_space<vmem>> -> memref<200x128xi32, #tpu.memory_space<vmem>>
    %dma_start3A_313 = arith.constant 0 : i32
    %dma_start3A_314 = tpu.memref_slice %arg2[%dma_start3A_313, %add3A_306] : memref<200x16384xi32, #tpu.memory_space<hbm>> -> memref<200x128xi32, #tpu.memory_space<hbm>>
    %dma_start3A_315 = tpu.memref_slice %arg11[%dma_start3A_308] : memref<2x!tpu.dma_semaphore, #tpu.memory_space<semaphore_mem>> -> memref<1x!tpu.dma_semaphore, #tpu.memory_space<semaphore_mem>>
    %dma_start3A_316 = tpu.memref_squeeze %dma_start3A_315 : memref<1x!tpu.dma_semaphore, #tpu.memory_space<semaphore_mem>> -> memref<!tpu.dma_semaphore, #tpu.memory_space<semaphore_mem>>
    %dma_start3A_317 = arith.constant 0 : i32
    %dma_start3A_318 = arith.constant 0 : i32
    %dma_start3A_319 = tpu.memref_slice %arg5[%dma_start3A_307, %dma_start3A_317, %dma_start3A_318] : memref<2x200x128xi32, #tpu.memory_space<vmem>> -> memref<1x200x128xi32, #tpu.memory_space<vmem>>
    %dma_start3A_320 = tpu.memref_squeeze %dma_start3A_319 : memref<1x200x128xi32, #tpu.memory_space<vmem>> -> memref<200x128xi32, #tpu.memory_space<vmem>>
    %dma_start3A_321 = arith.constant 0 : i32
    %dma_start3A_322 = tpu.memref_slice %arg2[%dma_start3A_321, %add3A_306] : memref<200x16384xi32, #tpu.memory_space<hbm>> -> memref<200x128xi32, #tpu.memory_space<hbm>>
    tpu.enqueue_dma source(%dma_start3A_322 : memref<200x128xi32, #tpu.memory_space<hbm>>) target(%dma_start3A_320 : memref<200x128xi32, #tpu.memory_space<vmem>>) target_semaphore(%dma_start3A_316 : memref<!tpu.dma_semaphore, #tpu.memory_space<semaphore_mem>>)
    %dma_wait3A = arith.constant 0 : i32
    %dma_wait3A_323 = arith.constant 0 : i32
    %dma_wait3A_324 = arith.constant 0 : i32
    %dma_wait3A_325 = arith.constant 0 : i32
    %dma_wait3A_326 = tpu.memref_slice %arg5[%dma_wait3A, %dma_wait3A_324, %dma_wait3A_325] : memref<2x200x128xi32, #tpu.memory_space<vmem>> -> memref<1x200x128xi32, #tpu.memory_space<vmem>>
    %dma_wait3A_327 = tpu.memref_squeeze %dma_wait3A_326 : memref<1x200x128xi32, #tpu.memory_space<vmem>> -> memref<200x128xi32, #tpu.memory_space<vmem>>
    %dma_wait3A_328 = arith.constant 0 : i32
    %dma_wait3A_329 = tpu.memref_slice %arg2[%dma_wait3A_328, %mul3A_2] : memref<200x16384xi32, #tpu.memory_space<hbm>> -> memref<200x128xi32, #tpu.memory_space<hbm>>
    %dma_wait3A_330 = tpu.memref_slice %arg11[%dma_wait3A_323] : memref<2x!tpu.dma_semaphore, #tpu.memory_space<semaphore_mem>> -> memref<1x!tpu.dma_semaphore, #tpu.memory_space<semaphore_mem>>
    %dma_wait3A_331 = tpu.memref_squeeze %dma_wait3A_330 : memref<1x!tpu.dma_semaphore, #tpu.memory_space<semaphore_mem>> -> memref<!tpu.dma_semaphore, #tpu.memory_space<semaphore_mem>>
    %dma_wait3A_332 = arith.constant 0 : i32
    %dma_wait3A_333 = arith.constant 0 : i32
    %dma_wait3A_334 = tpu.memref_slice %arg5[%dma_wait3A, %dma_wait3A_332, %dma_wait3A_333] : memref<2x200x128xi32, #tpu.memory_space<vmem>> -> memref<1x200x128xi32, #tpu.memory_space<vmem>>
    %dma_wait3A_335 = tpu.memref_squeeze %dma_wait3A_334 : memref<1x200x128xi32, #tpu.memory_space<vmem>> -> memref<200x128xi32, #tpu.memory_space<vmem>>
    %dma_wait3A_336 = arith.constant 0 : i32
    %dma_wait3A_337 = tpu.memref_slice %arg2[%dma_wait3A_336, %mul3A_2] : memref<200x16384xi32, #tpu.memory_space<hbm>> -> memref<200x128xi32, #tpu.memory_space<hbm>>
    tpu.wait_dma2 semaphore(%dma_wait3A_331 : memref<!tpu.dma_semaphore, #tpu.memory_space<semaphore_mem>>) src(%dma_wait3A_337 : memref<200x128xi32, #tpu.memory_space<hbm>>) dst(%dma_wait3A_335 : memref<200x128xi32, #tpu.memory_space<vmem>>)
    %scan3A_338 = arith.constant 0 : i32
    %scan3A_339 = arith.constant 0 : i32
    %scan3A_340 = arith.constant 0 : i32
    %scan3A_341 = arith.constant 8 : i32
    %scan3A_342 = arith.addi %scan3A_340, %scan3A_341 : i32
    %scan3A_343 = arith.constant 1 : i32
    scf.for %scan3A_450 = %scan3A_340 to %scan3A_342 step %scan3A_343  : i32 {
      %mul3A_451 = arith.constant 16 : i32
      %mul3A_452 = arith.muli %scan3A_450, %mul3A_451 : i32
      %broadcast_in_dim3A_453 = arith.constant 0.000000e+00 : f32
      %broadcast_in_dim3A_454 = vector.broadcast %broadcast_in_dim3A_453 : f32 to vector<16xf32>
      %scan3A_455 = arith.constant 0 : i32
      %scan3A_456 = arith.constant 50 : i32
      %scan3A_457 = arith.addi %scan3A_455, %scan3A_456 : i32
      %scan3A_458 = arith.constant 5 : i32
      %scan3A_459 = scf.for %scan3A_474 = %scan3A_455 to %scan3A_457 step %scan3A_458 iter_args(%scan3A_475 = %broadcast_in_dim3A_454) -> (vector<16xf32>)  : i32 {
        %mul3A_476 = arith.constant 4 : i32
        %mul3A_477 = arith.muli %scan3A_474, %mul3A_476 : i32
        %get3A = arith.constant 0 : i32
        %get3A_478 = arith.constant 0 : i32
        %get3A_479 = tpu.memref_slice %arg5[%scan3A_339, %get3A, %get3A_478] : memref<2x200x128xi32, #tpu.memory_space<vmem>> -> memref<1x200x128xi32, #tpu.memory_space<vmem>>
        %get3A_480 = tpu.memref_squeeze %get3A_479 : memref<1x200x128xi32, #tpu.memory_space<vmem>> -> memref<200x128xi32, #tpu.memory_space<vmem>>
        %get3A_481 = arith.index_cast %mul3A_477 : i32 to index
        %get3A_482 = arith.index_cast %mul3A_452 : i32 to index
        %get3A_483 = tpu.vector_load %get3A_480[%get3A_481, %get3A_482] {strides = array<i32>} : memref<200x128xi32, #tpu.memory_space<vmem>>, vector<16xi32>,
        %add3A_484 = arith.constant 1 : i32
        %add3A_485 = arith.addi %mul3A_477, %add3A_484 : i32
        %get3A_486 = arith.constant 0 : i32
        %get3A_487 = arith.constant 0 : i32
        %get3A_488 = tpu.memref_slice %arg5[%scan3A_339, %get3A_486, %get3A_487] : memref<2x200x128xi32, #tpu.memory_space<vmem>> -> memref<1x200x128xi32, #tpu.memory_space<vmem>>
        %get3A_489 = tpu.memref_squeeze %get3A_488 : memref<1x200x128xi32, #tpu.memory_space<vmem>> -> memref<200x128xi32, #tpu.memory_space<vmem>>
        %get3A_490 = arith.index_cast %add3A_485 : i32 to index
        %get3A_491 = arith.index_cast %mul3A_452 : i32 to index
        %get3A_492 = tpu.vector_load %get3A_489[%get3A_490, %get3A_491] {strides = array<i32>} : memref<200x128xi32, #tpu.memory_space<vmem>>, vector<16xi32>,
        %add3A_493 = arith.constant 2 : i32
        %add3A_494 = arith.addi %mul3A_477, %add3A_493 : i32
        %get3A_495 = arith.constant 0 : i32
        %get3A_496 = arith.constant 0 : i32
        %get3A_497 = tpu.memref_slice %arg5[%scan3A_339, %get3A_495, %get3A_496] : memref<2x200x128xi32, #tpu.memory_space<vmem>> -> memref<1x200x128xi32, #tpu.memory_space<vmem>>
        %get3A_498 = tpu.memref_squeeze %get3A_497 : memref<1x200x128xi32, #tpu.memory_space<vmem>> -> memref<200x128xi32, #tpu.memory_space<vmem>>
        %get3A_499 = arith.index_cast %add3A_494 : i32 to index
        %get3A_500 = arith.index_cast %mul3A_452 : i32 to index
        %get3A_501 = tpu.vector_load %get3A_498[%get3A_499, %get3A_500] {strides = array<i32>} : memref<200x128xi32, #tpu.memory_space<vmem>>, vector<16xi32>,
        %add3A_502 = arith.constant 3 : i32
        %add3A_503 = arith.addi %mul3A_477, %add3A_502 : i32
        %get3A_504 = arith.constant 0 : i32
        %get3A_505 = arith.constant 0 : i32
        %get3A_506 = tpu.memref_slice %arg5[%scan3A_339, %get3A_504, %get3A_505] : memref<2x200x128xi32, #tpu.memory_space<vmem>> -> memref<1x200x128xi32, #tpu.memory_space<vmem>>
        %get3A_507 = tpu.memref_squeeze %get3A_506 : memref<1x200x128xi32, #tpu.memory_space<vmem>> -> memref<200x128xi32, #tpu.memory_space<vmem>>
        %get3A_508 = arith.index_cast %add3A_503 : i32 to index
        %get3A_509 = arith.index_cast %mul3A_452 : i32 to index
        %get3A_510 = tpu.vector_load %get3A_507[%get3A_508, %get3A_509] {strides = array<i32>} : memref<200x128xi32, #tpu.memory_space<vmem>>, vector<16xi32>,
        %mul3A_511 = arith.constant 7 : i32
        %mul3A_512 = vector.broadcast %mul3A_511 : i32 to vector<16xi32>
        %mul3A_513 = arith.muli %get3A_483, %mul3A_512 : vector<16xi32>
        %add3A_514 = arith.addi %mul3A_513, %get3A_492 : vector<16xi32>
        %mul3A_515 = arith.constant 7 : i32
        %mul3A_516 = vector.broadcast %mul3A_515 : i32 to vector<16xi32>
        %mul3A_517 = arith.muli %add3A_514, %mul3A_516 : vector<16xi32>
        %add3A_518 = arith.addi %mul3A_517, %get3A_501 : vector<16xi32>
        %mul3A_519 = arith.constant 7 : i32
        %mul3A_520 = vector.broadcast %mul3A_519 : i32 to vector<16xi32>
        %mul3A_521 = arith.muli %add3A_518, %mul3A_520 : vector<16xi32>
        %add3A_522 = arith.addi %mul3A_521, %get3A_510 : vector<16xi32>
        %gather3A_523 = tpu.vector_load_idx %arg8[%add3A_522] : memref<2416xf32, #tpu.memory_space<vmem>>[vector<16xi32>], vector<16xf32>,
        %add3A_524 = arith.addf %scan3A_475, %gather3A_523 : vector<16xf32>
        %scan3A_525 = arith.constant 1 : i32
        %scan3A_526 = arith.addi %scan3A_474, %scan3A_525 : i32
        %mul3A_527 = arith.constant 4 : i32
        %mul3A_528 = arith.muli %scan3A_526, %mul3A_527 : i32
        %get3A_529 = arith.constant 0 : i32
        %get3A_530 = arith.constant 0 : i32
        %get3A_531 = tpu.memref_slice %arg5[%scan3A_339, %get3A_529, %get3A_530] : memref<2x200x128xi32, #tpu.memory_space<vmem>> -> memref<1x200x128xi32, #tpu.memory_space<vmem>>
        %get3A_532 = tpu.memref_squeeze %get3A_531 : memref<1x200x128xi32, #tpu.memory_space<vmem>> -> memref<200x128xi32, #tpu.memory_space<vmem>>
        %get3A_533 = arith.index_cast %mul3A_528 : i32 to index
        %get3A_534 = arith.index_cast %mul3A_452 : i32 to index
        %get3A_535 = tpu.vector_load %get3A_532[%get3A_533, %get3A_534] {strides = array<i32>} : memref<200x128xi32, #tpu.memory_space<vmem>>, vector<16xi32>,
        %add3A_536 = arith.constant 1 : i32
        %add3A_537 = arith.addi %mul3A_528, %add3A_536 : i32
        %get3A_538 = arith.constant 0 : i32
        %get3A_539 = arith.constant 0 : i32
        %get3A_540 = tpu.memref_slice %arg5[%scan3A_339, %get3A_538, %get3A_539] : memref<2x200x128xi32, #tpu.memory_space<vmem>> -> memref<1x200x128xi32, #tpu.memory_space<vmem>>
        %get3A_541 = tpu.memref_squeeze %get3A_540 : memref<1x200x128xi32, #tpu.memory_space<vmem>> -> memref<200x128xi32, #tpu.memory_space<vmem>>
        %get3A_542 = arith.index_cast %add3A_537 : i32 to index
        %get3A_543 = arith.index_cast %mul3A_452 : i32 to index
        %get3A_544 = tpu.vector_load %get3A_541[%get3A_542, %get3A_543] {strides = array<i32>} : memref<200x128xi32, #tpu.memory_space<vmem>>, vector<16xi32>,
        %add3A_545 = arith.constant 2 : i32
        %add3A_546 = arith.addi %mul3A_528, %add3A_545 : i32
        %get3A_547 = arith.constant 0 : i32
        %get3A_548 = arith.constant 0 : i32
        %get3A_549 = tpu.memref_slice %arg5[%scan3A_339, %get3A_547, %get3A_548] : memref<2x200x128xi32, #tpu.memory_space<vmem>> -> memref<1x200x128xi32, #tpu.memory_space<vmem>>
        %get3A_550 = tpu.memref_squeeze %get3A_549 : memref<1x200x128xi32, #tpu.memory_space<vmem>> -> memref<200x128xi32, #tpu.memory_space<vmem>>
        %get3A_551 = arith.index_cast %add3A_546 : i32 to index
        %get3A_552 = arith.index_cast %mul3A_452 : i32 to index
        %get3A_553 = tpu.vector_load %get3A_550[%get3A_551, %get3A_552] {strides = array<i32>} : memref<200x128xi32, #tpu.memory_space<vmem>>, vector<16xi32>,
        %add3A_554 = arith.constant 3 : i32
        %add3A_555 = arith.addi %mul3A_528, %add3A_554 : i32
        %get3A_556 = arith.constant 0 : i32
        %get3A_557 = arith.constant 0 : i32
        %get3A_558 = tpu.memref_slice %arg5[%scan3A_339, %get3A_556, %get3A_557] : memref<2x200x128xi32, #tpu.memory_space<vmem>> -> memref<1x200x128xi32, #tpu.memory_space<vmem>>
        %get3A_559 = tpu.memref_squeeze %get3A_558 : memref<1x200x128xi32, #tpu.memory_space<vmem>> -> memref<200x128xi32, #tpu.memory_space<vmem>>
        %get3A_560 = arith.index_cast %add3A_555 : i32 to index
        %get3A_561 = arith.index_cast %mul3A_452 : i32 to index
        %get3A_562 = tpu.vector_load %get3A_559[%get3A_560, %get3A_561] {strides = array<i32>} : memref<200x128xi32, #tpu.memory_space<vmem>>, vector<16xi32>,
        %mul3A_563 = arith.constant 7 : i32
        %mul3A_564 = vector.broadcast %mul3A_563 : i32 to vector<16xi32>
        %mul3A_565 = arith.muli %get3A_535, %mul3A_564 : vector<16xi32>
        %add3A_566 = arith.addi %mul3A_565, %get3A_544 : vector<16xi32>
        %mul3A_567 = arith.constant 7 : i32
        %mul3A_568 = vector.broadcast %mul3A_567 : i32 to vector<16xi32>
        %mul3A_569 = arith.muli %add3A_566, %mul3A_568 : vector<16xi32>
        %add3A_570 = arith.addi %mul3A_569, %get3A_553 : vector<16xi32>
        %mul3A_571 = arith.constant 7 : i32
        %mul3A_572 = vector.broadcast %mul3A_571 : i32 to vector<16xi32>
        %mul3A_573 = arith.muli %add3A_570, %mul3A_572 : vector<16xi32>
        %add3A_574 = arith.addi %mul3A_573, %get3A_562 : vector<16xi32>
        %gather3A_575 = tpu.vector_load_idx %arg8[%add3A_574] : memref<2416xf32, #tpu.memory_space<vmem>>[vector<16xi32>], vector<16xf32>,
        %add3A_576 = arith.addf %add3A_524, %gather3A_575 : vector<16xf32>
        %scan3A_577 = arith.constant 2 : i32
        %scan3A_578 = arith.addi %scan3A_474, %scan3A_577 : i32
        %mul3A_579 = arith.constant 4 : i32
        %mul3A_580 = arith.muli %scan3A_578, %mul3A_579 : i32
        %get3A_581 = arith.constant 0 : i32
        %get3A_582 = arith.constant 0 : i32
        %get3A_583 = tpu.memref_slice %arg5[%scan3A_339, %get3A_581, %get3A_582] : memref<2x200x128xi32, #tpu.memory_space<vmem>> -> memref<1x200x128xi32, #tpu.memory_space<vmem>>
        %get3A_584 = tpu.memref_squeeze %get3A_583 : memref<1x200x128xi32, #tpu.memory_space<vmem>> -> memref<200x128xi32, #tpu.memory_space<vmem>>
        %get3A_585 = arith.index_cast %mul3A_580 : i32 to index
        %get3A_586 = arith.index_cast %mul3A_452 : i32 to index
        %get3A_587 = tpu.vector_load %get3A_584[%get3A_585, %get3A_586] {strides = array<i32>} : memref<200x128xi32, #tpu.memory_space<vmem>>, vector<16xi32>,
        %add3A_588 = arith.constant 1 : i32
        %add3A_589 = arith.addi %mul3A_580, %add3A_588 : i32
        %get3A_590 = arith.constant 0 : i32
        %get3A_591 = arith.constant 0 : i32
        %get3A_592 = tpu.memref_slice %arg5[%scan3A_339, %get3A_590, %get3A_591] : memref<2x200x128xi32, #tpu.memory_space<vmem>> -> memref<1x200x128xi32, #tpu.memory_space<vmem>>
        %get3A_593 = tpu.memref_squeeze %get3A_592 : memref<1x200x128xi32, #tpu.memory_space<vmem>> -> memref<200x128xi32, #tpu.memory_space<vmem>>
        %get3A_594 = arith.index_cast %add3A_589 : i32 to index
        %get3A_595 = arith.index_cast %mul3A_452 : i32 to index
        %get3A_596 = tpu.vector_load %get3A_593[%get3A_594, %get3A_595] {strides = array<i32>} : memref<200x128xi32, #tpu.memory_space<vmem>>, vector<16xi32>,
        %add3A_597 = arith.constant 2 : i32
        %add3A_598 = arith.addi %mul3A_580, %add3A_597 : i32
        %get3A_599 = arith.constant 0 : i32
        %get3A_600 = arith.constant 0 : i32
        %get3A_601 = tpu.memref_slice %arg5[%scan3A_339, %get3A_599, %get3A_600] : memref<2x200x128xi32, #tpu.memory_space<vmem>> -> memref<1x200x128xi32, #tpu.memory_space<vmem>>
        %get3A_602 = tpu.memref_squeeze %get3A_601 : memref<1x200x128xi32, #tpu.memory_space<vmem>> -> memref<200x128xi32, #tpu.memory_space<vmem>>
        %get3A_603 = arith.index_cast %add3A_598 : i32 to index
        %get3A_604 = arith.index_cast %mul3A_452 : i32 to index
        %get3A_605 = tpu.vector_load %get3A_602[%get3A_603, %get3A_604] {strides = array<i32>} : memref<200x128xi32, #tpu.memory_space<vmem>>, vector<16xi32>,
        %add3A_606 = arith.constant 3 : i32
        %add3A_607 = arith.addi %mul3A_580, %add3A_606 : i32
        %get3A_608 = arith.constant 0 : i32
        %get3A_609 = arith.constant 0 : i32
        %get3A_610 = tpu.memref_slice %arg5[%scan3A_339, %get3A_608, %get3A_609] : memref<2x200x128xi32, #tpu.memory_space<vmem>> -> memref<1x200x128xi32, #tpu.memory_space<vmem>>
        %get3A_611 = tpu.memref_squeeze %get3A_610 : memref<1x200x128xi32, #tpu.memory_space<vmem>> -> memref<200x128xi32, #tpu.memory_space<vmem>>
        %get3A_612 = arith.index_cast %add3A_607 : i32 to index
        %get3A_613 = arith.index_cast %mul3A_452 : i32 to index
        %get3A_614 = tpu.vector_load %get3A_611[%get3A_612, %get3A_613] {strides = array<i32>} : memref<200x128xi32, #tpu.memory_space<vmem>>, vector<16xi32>,
        %mul3A_615 = arith.constant 7 : i32
        %mul3A_616 = vector.broadcast %mul3A_615 : i32 to vector<16xi32>
        %mul3A_617 = arith.muli %get3A_587, %mul3A_616 : vector<16xi32>
        %add3A_618 = arith.addi %mul3A_617, %get3A_596 : vector<16xi32>
        %mul3A_619 = arith.constant 7 : i32
        %mul3A_620 = vector.broadcast %mul3A_619 : i32 to vector<16xi32>
        %mul3A_621 = arith.muli %add3A_618, %mul3A_620 : vector<16xi32>
        %add3A_622 = arith.addi %mul3A_621, %get3A_605 : vector<16xi32>
        %mul3A_623 = arith.constant 7 : i32
        %mul3A_624 = vector.broadcast %mul3A_623 : i32 to vector<16xi32>
        %mul3A_625 = arith.muli %add3A_622, %mul3A_624 : vector<16xi32>
        %add3A_626 = arith.addi %mul3A_625, %get3A_614 : vector<16xi32>
        %gather3A_627 = tpu.vector_load_idx %arg8[%add3A_626] : memref<2416xf32, #tpu.memory_space<vmem>>[vector<16xi32>], vector<16xf32>,
        %add3A_628 = arith.addf %add3A_576, %gather3A_627 : vector<16xf32>
        %scan3A_629 = arith.constant 3 : i32
        %scan3A_630 = arith.addi %scan3A_474, %scan3A_629 : i32
        %mul3A_631 = arith.constant 4 : i32
        %mul3A_632 = arith.muli %scan3A_630, %mul3A_631 : i32
        %get3A_633 = arith.constant 0 : i32
        %get3A_634 = arith.constant 0 : i32
        %get3A_635 = tpu.memref_slice %arg5[%scan3A_339, %get3A_633, %get3A_634] : memref<2x200x128xi32, #tpu.memory_space<vmem>> -> memref<1x200x128xi32, #tpu.memory_space<vmem>>
        %get3A_636 = tpu.memref_squeeze %get3A_635 : memref<1x200x128xi32, #tpu.memory_space<vmem>> -> memref<200x128xi32, #tpu.memory_space<vmem>>
        %get3A_637 = arith.index_cast %mul3A_632 : i32 to index
        %get3A_638 = arith.index_cast %mul3A_452 : i32 to index
        %get3A_639 = tpu.vector_load %get3A_636[%get3A_637, %get3A_638] {strides = array<i32>} : memref<200x128xi32, #tpu.memory_space<vmem>>, vector<16xi32>,
        %add3A_640 = arith.constant 1 : i32
        %add3A_641 = arith.addi %mul3A_632, %add3A_640 : i32
        %get3A_642 = arith.constant 0 : i32
        %get3A_643 = arith.constant 0 : i32
        %get3A_644 = tpu.memref_slice %arg5[%scan3A_339, %get3A_642, %get3A_643] : memref<2x200x128xi32, #tpu.memory_space<vmem>> -> memref<1x200x128xi32, #tpu.memory_space<vmem>>
        %get3A_645 = tpu.memref_squeeze %get3A_644 : memref<1x200x128xi32, #tpu.memory_space<vmem>> -> memref<200x128xi32, #tpu.memory_space<vmem>>
        %get3A_646 = arith.index_cast %add3A_641 : i32 to index
        %get3A_647 = arith.index_cast %mul3A_452 : i32 to index
        %get3A_648 = tpu.vector_load %get3A_645[%get3A_646, %get3A_647] {strides = array<i32>} : memref<200x128xi32, #tpu.memory_space<vmem>>, vector<16xi32>,
        %add3A_649 = arith.constant 2 : i32
        %add3A_650 = arith.addi %mul3A_632, %add3A_649 : i32
        %get3A_651 = arith.constant 0 : i32
        %get3A_652 = arith.constant 0 : i32
        %get3A_653 = tpu.memref_slice %arg5[%scan3A_339, %get3A_651, %get3A_652] : memref<2x200x128xi32, #tpu.memory_space<vmem>> -> memref<1x200x128xi32, #tpu.memory_space<vmem>>
        %get3A_654 = tpu.memref_squeeze %get3A_653 : memref<1x200x128xi32, #tpu.memory_space<vmem>> -> memref<200x128xi32, #tpu.memory_space<vmem>>
        %get3A_655 = arith.index_cast %add3A_650 : i32 to index
        %get3A_656 = arith.index_cast %mul3A_452 : i32 to index
        %get3A_657 = tpu.vector_load %get3A_654[%get3A_655, %get3A_656] {strides = array<i32>} : memref<200x128xi32, #tpu.memory_space<vmem>>, vector<16xi32>,
        %add3A_658 = arith.constant 3 : i32
        %add3A_659 = arith.addi %mul3A_632, %add3A_658 : i32
        %get3A_660 = arith.constant 0 : i32
        %get3A_661 = arith.constant 0 : i32
        %get3A_662 = tpu.memref_slice %arg5[%scan3A_339, %get3A_660, %get3A_661] : memref<2x200x128xi32, #tpu.memory_space<vmem>> -> memref<1x200x128xi32, #tpu.memory_space<vmem>>
        %get3A_663 = tpu.memref_squeeze %get3A_662 : memref<1x200x128xi32, #tpu.memory_space<vmem>> -> memref<200x128xi32, #tpu.memory_space<vmem>>
        %get3A_664 = arith.index_cast %add3A_659 : i32 to index
        %get3A_665 = arith.index_cast %mul3A_452 : i32 to index
        %get3A_666 = tpu.vector_load %get3A_663[%get3A_664, %get3A_665] {strides = array<i32>} : memref<200x128xi32, #tpu.memory_space<vmem>>, vector<16xi32>,
        %mul3A_667 = arith.constant 7 : i32
        %mul3A_668 = vector.broadcast %mul3A_667 : i32 to vector<16xi32>
        %mul3A_669 = arith.muli %get3A_639, %mul3A_668 : vector<16xi32>
        %add3A_670 = arith.addi %mul3A_669, %get3A_648 : vector<16xi32>
        %mul3A_671 = arith.constant 7 : i32
        %mul3A_672 = vector.broadcast %mul3A_671 : i32 to vector<16xi32>
        %mul3A_673 = arith.muli %add3A_670, %mul3A_672 : vector<16xi32>
        %add3A_674 = arith.addi %mul3A_673, %get3A_657 : vector<16xi32>
        %mul3A_675 = arith.constant 7 : i32
        %mul3A_676 = vector.broadcast %mul3A_675 : i32 to vector<16xi32>
        %mul3A_677 = arith.muli %add3A_674, %mul3A_676 : vector<16xi32>
        %add3A_678 = arith.addi %mul3A_677, %get3A_666 : vector<16xi32>
        %gather3A_679 = tpu.vector_load_idx %arg8[%add3A_678] : memref<2416xf32, #tpu.memory_space<vmem>>[vector<16xi32>], vector<16xf32>,
        %add3A_680 = arith.addf %add3A_628, %gather3A_679 : vector<16xf32>
        %scan3A_681 = arith.constant 4 : i32
        %scan3A_682 = arith.addi %scan3A_474, %scan3A_681 : i32
        %mul3A_683 = arith.constant 4 : i32
        %mul3A_684 = arith.muli %scan3A_682, %mul3A_683 : i32
        %get3A_685 = arith.constant 0 : i32
        %get3A_686 = arith.constant 0 : i32
        %get3A_687 = tpu.memref_slice %arg5[%scan3A_339, %get3A_685, %get3A_686] : memref<2x200x128xi32, #tpu.memory_space<vmem>> -> memref<1x200x128xi32, #tpu.memory_space<vmem>>
        %get3A_688 = tpu.memref_squeeze %get3A_687 : memref<1x200x128xi32, #tpu.memory_space<vmem>> -> memref<200x128xi32, #tpu.memory_space<vmem>>
        %get3A_689 = arith.index_cast %mul3A_684 : i32 to index
        %get3A_690 = arith.index_cast %mul3A_452 : i32 to index
        %get3A_691 = tpu.vector_load %get3A_688[%get3A_689, %get3A_690] {strides = array<i32>} : memref<200x128xi32, #tpu.memory_space<vmem>>, vector<16xi32>,
        %add3A_692 = arith.constant 1 : i32
        %add3A_693 = arith.addi %mul3A_684, %add3A_692 : i32
        %get3A_694 = arith.constant 0 : i32
        %get3A_695 = arith.constant 0 : i32
        %get3A_696 = tpu.memref_slice %arg5[%scan3A_339, %get3A_694, %get3A_695] : memref<2x200x128xi32, #tpu.memory_space<vmem>> -> memref<1x200x128xi32, #tpu.memory_space<vmem>>
        %get3A_697 = tpu.memref_squeeze %get3A_696 : memref<1x200x128xi32, #tpu.memory_space<vmem>> -> memref<200x128xi32, #tpu.memory_space<vmem>>
        %get3A_698 = arith.index_cast %add3A_693 : i32 to index
        %get3A_699 = arith.index_cast %mul3A_452 : i32 to index
        %get3A_700 = tpu.vector_load %get3A_697[%get3A_698, %get3A_699] {strides = array<i32>} : memref<200x128xi32, #tpu.memory_space<vmem>>, vector<16xi32>,
        %add3A_701 = arith.constant 2 : i32
        %add3A_702 = arith.addi %mul3A_684, %add3A_701 : i32
        %get3A_703 = arith.constant 0 : i32
        %get3A_704 = arith.constant 0 : i32
        %get3A_705 = tpu.memref_slice %arg5[%scan3A_339, %get3A_703, %get3A_704] : memref<2x200x128xi32, #tpu.memory_space<vmem>> -> memref<1x200x128xi32, #tpu.memory_space<vmem>>
        %get3A_706 = tpu.memref_squeeze %get3A_705 : memref<1x200x128xi32, #tpu.memory_space<vmem>> -> memref<200x128xi32, #tpu.memory_space<vmem>>
        %get3A_707 = arith.index_cast %add3A_702 : i32 to index
        %get3A_708 = arith.index_cast %mul3A_452 : i32 to index
        %get3A_709 = tpu.vector_load %get3A_706[%get3A_707, %get3A_708] {strides = array<i32>} : memref<200x128xi32, #tpu.memory_space<vmem>>, vector<16xi32>,
        %add3A_710 = arith.constant 3 : i32
        %add3A_711 = arith.addi %mul3A_684, %add3A_710 : i32
        %get3A_712 = arith.constant 0 : i32
        %get3A_713 = arith.constant 0 : i32
        %get3A_714 = tpu.memref_slice %arg5[%scan3A_339, %get3A_712, %get3A_713] : memref<2x200x128xi32, #tpu.memory_space<vmem>> -> memref<1x200x128xi32, #tpu.memory_space<vmem>>
        %get3A_715 = tpu.memref_squeeze %get3A_714 : memref<1x200x128xi32, #tpu.memory_space<vmem>> -> memref<200x128xi32, #tpu.memory_space<vmem>>
        %get3A_716 = arith.index_cast %add3A_711 : i32 to index
        %get3A_717 = arith.index_cast %mul3A_452 : i32 to index
        %get3A_718 = tpu.vector_load %get3A_715[%get3A_716, %get3A_717] {strides = array<i32>} : memref<200x128xi32, #tpu.memory_space<vmem>>, vector<16xi32>,
        %mul3A_719 = arith.constant 7 : i32
        %mul3A_720 = vector.broadcast %mul3A_719 : i32 to vector<16xi32>
        %mul3A_721 = arith.muli %get3A_691, %mul3A_720 : vector<16xi32>
        %add3A_722 = arith.addi %mul3A_721, %get3A_700 : vector<16xi32>
        %mul3A_723 = arith.constant 7 : i32
        %mul3A_724 = vector.broadcast %mul3A_723 : i32 to vector<16xi32>
        %mul3A_725 = arith.muli %add3A_722, %mul3A_724 : vector<16xi32>
        %add3A_726 = arith.addi %mul3A_725, %get3A_709 : vector<16xi32>
        %mul3A_727 = arith.constant 7 : i32
        %mul3A_728 = vector.broadcast %mul3A_727 : i32 to vector<16xi32>
        %mul3A_729 = arith.muli %add3A_726, %mul3A_728 : vector<16xi32>
        %add3A_730 = arith.addi %mul3A_729, %get3A_718 : vector<16xi32>
        %gather3A_731 = tpu.vector_load_idx %arg8[%add3A_730] : memref<2416xf32, #tpu.memory_space<vmem>>[vector<16xi32>], vector<16xf32>,
        %add3A_732 = arith.addf %add3A_680, %gather3A_731 : vector<16xf32>
        scf.yield %add3A_732 : vector<16xf32>
      }
      %scan3A_460 = arith.constant 50 : i32
      %add3A_461 = arith.addf %scan3A_459, %gather3A_50 : vector<16xf32>
      %neg3A = arith.constant 0.000000e+00 : f32
      %neg3A_462 = vector.broadcast %neg3A : f32 to vector<16xf32>
      %neg3A_463 = arith.subf %neg3A_462, %add3A_461 : vector<16xf32>
      %exp3A = math.exp %neg3A_463 : vector<16xf32>
      %add3A_464 = arith.constant 1.000000e+00 : f32
      %add3A_465 = vector.broadcast %add3A_464 : f32 to vector<16xf32>
      %add3A_466 = arith.addf %add3A_465, %exp3A : vector<16xf32>
      %div3A_467 = arith.constant 1.000000e+00 : f32
      %div3A_468 = vector.broadcast %div3A_467 : f32 to vector<16xf32>
      %div3A_469 = arith.divf %div3A_468, %add3A_466 : vector<16xf32>
      %add3A_470 = arith.constant 0 : i32
      %add3A_471 = arith.addi %add3A_470, %mul3A_452 : i32
      %swap3A_472 = arith.index_cast %add3A_471 : i32 to index
      %swap3A_473 = tpu.vector_load %arg9[%swap3A_472] {strides = array<i32>} : memref<512xf32, #tpu.memory_space<vmem>>, vector<16xf32>,
      tpu.vector_store %arg9[%swap3A_472], %div3A_469 {strides = array<i32>} : memref<512xf32, #tpu.memory_space<vmem>>, vector<16xf32>,
    }
    %scan3A_344 = arith.constant 8 : i32
    %add3A_345 = arith.constant 256 : i32
    %add3A_346 = arith.addi %mul3A_2, %add3A_345 : i32
    %dma_start3A_347 = arith.constant 0 : i32
    %dma_start3A_348 = arith.constant 0 : i32
    %dma_start3A_349 = arith.constant 0 : i32
    %dma_start3A_350 = arith.constant 0 : i32
    %dma_start3A_351 = tpu.memref_slice %arg5[%dma_start3A_347, %dma_start3A_349, %dma_start3A_350] : memref<2x200x128xi32, #tpu.memory_space<vmem>> -> memref<1x200x128xi32, #tpu.memory_space<vmem>>
    %dma_start3A_352 = tpu.memref_squeeze %dma_start3A_351 : memref<1x200x128xi32, #tpu.memory_space<vmem>> -> memref<200x128xi32, #tpu.memory_space<vmem>>
    %dma_start3A_353 = arith.constant 0 : i32
    %dma_start3A_354 = tpu.memref_slice %arg2[%dma_start3A_353, %add3A_346] : memref<200x16384xi32, #tpu.memory_space<hbm>> -> memref<200x128xi32, #tpu.memory_space<hbm>>
    %dma_start3A_355 = tpu.memref_slice %arg11[%dma_start3A_348] : memref<2x!tpu.dma_semaphore, #tpu.memory_space<semaphore_mem>> -> memref<1x!tpu.dma_semaphore, #tpu.memory_space<semaphore_mem>>
    %dma_start3A_356 = tpu.memref_squeeze %dma_start3A_355 : memref<1x!tpu.dma_semaphore, #tpu.memory_space<semaphore_mem>> -> memref<!tpu.dma_semaphore, #tpu.memory_space<semaphore_mem>>
    %dma_start3A_357 = arith.constant 0 : i32
    %dma_start3A_358 = arith.constant 0 : i32
    %dma_start3A_359 = tpu.memref_slice %arg5[%dma_start3A_347, %dma_start3A_357, %dma_start3A_358] : memref<2x200x128xi32, #tpu.memory_space<vmem>> -> memref<1x200x128xi32, #tpu.memory_space<vmem>>
    %dma_start3A_360 = tpu.memref_squeeze %dma_start3A_359 : memref<1x200x128xi32, #tpu.memory_space<vmem>> -> memref<200x128xi32, #tpu.memory_space<vmem>>
    %dma_start3A_361 = arith.constant 0 : i32
    %dma_start3A_362 = tpu.memref_slice %arg2[%dma_start3A_361, %add3A_346] : memref<200x16384xi32, #tpu.memory_space<hbm>> -> memref<200x128xi32, #tpu.memory_space<hbm>>
    tpu.enqueue_dma source(%dma_start3A_362 : memref<200x128xi32, #tpu.memory_space<hbm>>) target(%dma_start3A_360 : memref<200x128xi32, #tpu.memory_space<vmem>>) target_semaphore(%dma_start3A_356 : memref<!tpu.dma_semaphore, #tpu.memory_space<semaphore_mem>>)
    %dma_wait3A_363 = arith.constant 1 : i32
    %dma_wait3A_364 = arith.constant 1 : i32
    %dma_wait3A_365 = arith.constant 0 : i32
    %dma_wait3A_366 = arith.constant 0 : i32
    %dma_wait3A_367 = tpu.memref_slice %arg5[%dma_wait3A_363, %dma_wait3A_365, %dma_wait3A_366] : memref<2x200x128xi32, #tpu.memory_space<vmem>> -> memref<1x200x128xi32, #tpu.memory_space<vmem>>
    %dma_wait3A_368 = tpu.memref_squeeze %dma_wait3A_367 : memref<1x200x128xi32, #tpu.memory_space<vmem>> -> memref<200x128xi32, #tpu.memory_space<vmem>>
    %dma_wait3A_369 = arith.constant 0 : i32
    %dma_wait3A_370 = tpu.memref_slice %arg2[%dma_wait3A_369, %add3A_306] : memref<200x16384xi32, #tpu.memory_space<hbm>> -> memref<200x128xi32, #tpu.memory_space<hbm>>
    %dma_wait3A_371 = tpu.memref_slice %arg11[%dma_wait3A_364] : memref<2x!tpu.dma_semaphore, #tpu.memory_space<semaphore_mem>> -> memref<1x!tpu.dma_semaphore, #tpu.memory_space<semaphore_mem>>
    %dma_wait3A_372 = tpu.memref_squeeze %dma_wait3A_371 : memref<1x!tpu.dma_semaphore, #tpu.memory_space<semaphore_mem>> -> memref<!tpu.dma_semaphore, #tpu.memory_space<semaphore_mem>>
    %dma_wait3A_373 = arith.constant 0 : i32
    %dma_wait3A_374 = arith.constant 0 : i32
    %dma_wait3A_375 = tpu.memref_slice %arg5[%dma_wait3A_363, %dma_wait3A_373, %dma_wait3A_374] : memref<2x200x128xi32, #tpu.memory_space<vmem>> -> memref<1x200x128xi32, #tpu.memory_space<vmem>>
    %dma_wait3A_376 = tpu.memref_squeeze %dma_wait3A_375 : memref<1x200x128xi32, #tpu.memory_space<vmem>> -> memref<200x128xi32, #tpu.memory_space<vmem>>
    %dma_wait3A_377 = arith.constant 0 : i32
    %dma_wait3A_378 = tpu.memref_slice %arg2[%dma_wait3A_377, %add3A_306] : memref<200x16384xi32, #tpu.memory_space<hbm>> -> memref<200x128xi32, #tpu.memory_space<hbm>>
    tpu.wait_dma2 semaphore(%dma_wait3A_372 : memref<!tpu.dma_semaphore, #tpu.memory_space<semaphore_mem>>) src(%dma_wait3A_378 : memref<200x128xi32, #tpu.memory_space<hbm>>) dst(%dma_wait3A_376 : memref<200x128xi32, #tpu.memory_space<vmem>>)
    %scan3A_379 = arith.constant 0 : i32
    %scan3A_380 = arith.constant 1 : i32
    %scan3A_381 = arith.constant 0 : i32
    %scan3A_382 = arith.constant 8 : i32
    %scan3A_383 = arith.addi %scan3A_381, %scan3A_382 : i32
    %scan3A_384 = arith.constant 1 : i32
    scf.for %scan3A_450 = %scan3A_381 to %scan3A_383 step %scan3A_384  : i32 {
      %mul3A_451 = arith.constant 16 : i32
      %mul3A_452 = arith.muli %scan3A_450, %mul3A_451 : i32
      %broadcast_in_dim3A_453 = arith.constant 0.000000e+00 : f32
      %broadcast_in_dim3A_454 = vector.broadcast %broadcast_in_dim3A_453 : f32 to vector<16xf32>
      %scan3A_455 = arith.constant 0 : i32
      %scan3A_456 = arith.constant 50 : i32
      %scan3A_457 = arith.addi %scan3A_455, %scan3A_456 : i32
      %scan3A_458 = arith.constant 5 : i32
      %scan3A_459 = scf.for %scan3A_474 = %scan3A_455 to %scan3A_457 step %scan3A_458 iter_args(%scan3A_475 = %broadcast_in_dim3A_454) -> (vector<16xf32>)  : i32 {
        %mul3A_476 = arith.constant 4 : i32
        %mul3A_477 = arith.muli %scan3A_474, %mul3A_476 : i32
        %get3A = arith.constant 0 : i32
        %get3A_478 = arith.constant 0 : i32
        %get3A_479 = tpu.memref_slice %arg5[%scan3A_380, %get3A, %get3A_478] : memref<2x200x128xi32, #tpu.memory_space<vmem>> -> memref<1x200x128xi32, #tpu.memory_space<vmem>>
        %get3A_480 = tpu.memref_squeeze %get3A_479 : memref<1x200x128xi32, #tpu.memory_space<vmem>> -> memref<200x128xi32, #tpu.memory_space<vmem>>
        %get3A_481 = arith.index_cast %mul3A_477 : i32 to index
        %get3A_482 = arith.index_cast %mul3A_452 : i32 to index
        %get3A_483 = tpu.vector_load %get3A_480[%get3A_481, %get3A_482] {strides = array<i32>} : memref<200x128xi32, #tpu.memory_space<vmem>>, vector<16xi32>,
        %add3A_484 = arith.constant 1 : i32
        %add3A_485 = arith.addi %mul3A_477, %add3A_484 : i32
        %get3A_486 = arith.constant 0 : i32
        %get3A_487 = arith.constant 0 : i32
        %get3A_488 = tpu.memref_slice %arg5[%scan3A_380, %get3A_486, %get3A_487] : memref<2x200x128xi32, #tpu.memory_space<vmem>> -> memref<1x200x128xi32, #tpu.memory_space<vmem>>
        %get3A_489 = tpu.memref_squeeze %get3A_488 : memref<1x200x128xi32, #tpu.memory_space<vmem>> -> memref<200x128xi32, #tpu.memory_space<vmem>>
        %get3A_490 = arith.index_cast %add3A_485 : i32 to index
        %get3A_491 = arith.index_cast %mul3A_452 : i32 to index
        %get3A_492 = tpu.vector_load %get3A_489[%get3A_490, %get3A_491] {strides = array<i32>} : memref<200x128xi32, #tpu.memory_space<vmem>>, vector<16xi32>,
        %add3A_493 = arith.constant 2 : i32
        %add3A_494 = arith.addi %mul3A_477, %add3A_493 : i32
        %get3A_495 = arith.constant 0 : i32
        %get3A_496 = arith.constant 0 : i32
        %get3A_497 = tpu.memref_slice %arg5[%scan3A_380, %get3A_495, %get3A_496] : memref<2x200x128xi32, #tpu.memory_space<vmem>> -> memref<1x200x128xi32, #tpu.memory_space<vmem>>
        %get3A_498 = tpu.memref_squeeze %get3A_497 : memref<1x200x128xi32, #tpu.memory_space<vmem>> -> memref<200x128xi32, #tpu.memory_space<vmem>>
        %get3A_499 = arith.index_cast %add3A_494 : i32 to index
        %get3A_500 = arith.index_cast %mul3A_452 : i32 to index
        %get3A_501 = tpu.vector_load %get3A_498[%get3A_499, %get3A_500] {strides = array<i32>} : memref<200x128xi32, #tpu.memory_space<vmem>>, vector<16xi32>,
        %add3A_502 = arith.constant 3 : i32
        %add3A_503 = arith.addi %mul3A_477, %add3A_502 : i32
        %get3A_504 = arith.constant 0 : i32
        %get3A_505 = arith.constant 0 : i32
        %get3A_506 = tpu.memref_slice %arg5[%scan3A_380, %get3A_504, %get3A_505] : memref<2x200x128xi32, #tpu.memory_space<vmem>> -> memref<1x200x128xi32, #tpu.memory_space<vmem>>
        %get3A_507 = tpu.memref_squeeze %get3A_506 : memref<1x200x128xi32, #tpu.memory_space<vmem>> -> memref<200x128xi32, #tpu.memory_space<vmem>>
        %get3A_508 = arith.index_cast %add3A_503 : i32 to index
        %get3A_509 = arith.index_cast %mul3A_452 : i32 to index
        %get3A_510 = tpu.vector_load %get3A_507[%get3A_508, %get3A_509] {strides = array<i32>} : memref<200x128xi32, #tpu.memory_space<vmem>>, vector<16xi32>,
        %mul3A_511 = arith.constant 7 : i32
        %mul3A_512 = vector.broadcast %mul3A_511 : i32 to vector<16xi32>
        %mul3A_513 = arith.muli %get3A_483, %mul3A_512 : vector<16xi32>
        %add3A_514 = arith.addi %mul3A_513, %get3A_492 : vector<16xi32>
        %mul3A_515 = arith.constant 7 : i32
        %mul3A_516 = vector.broadcast %mul3A_515 : i32 to vector<16xi32>
        %mul3A_517 = arith.muli %add3A_514, %mul3A_516 : vector<16xi32>
        %add3A_518 = arith.addi %mul3A_517, %get3A_501 : vector<16xi32>
        %mul3A_519 = arith.constant 7 : i32
        %mul3A_520 = vector.broadcast %mul3A_519 : i32 to vector<16xi32>
        %mul3A_521 = arith.muli %add3A_518, %mul3A_520 : vector<16xi32>
        %add3A_522 = arith.addi %mul3A_521, %get3A_510 : vector<16xi32>
        %gather3A_523 = tpu.vector_load_idx %arg8[%add3A_522] : memref<2416xf32, #tpu.memory_space<vmem>>[vector<16xi32>], vector<16xf32>,
        %add3A_524 = arith.addf %scan3A_475, %gather3A_523 : vector<16xf32>
        %scan3A_525 = arith.constant 1 : i32
        %scan3A_526 = arith.addi %scan3A_474, %scan3A_525 : i32
        %mul3A_527 = arith.constant 4 : i32
        %mul3A_528 = arith.muli %scan3A_526, %mul3A_527 : i32
        %get3A_529 = arith.constant 0 : i32
        %get3A_530 = arith.constant 0 : i32
        %get3A_531 = tpu.memref_slice %arg5[%scan3A_380, %get3A_529, %get3A_530] : memref<2x200x128xi32, #tpu.memory_space<vmem>> -> memref<1x200x128xi32, #tpu.memory_space<vmem>>
        %get3A_532 = tpu.memref_squeeze %get3A_531 : memref<1x200x128xi32, #tpu.memory_space<vmem>> -> memref<200x128xi32, #tpu.memory_space<vmem>>
        %get3A_533 = arith.index_cast %mul3A_528 : i32 to index
        %get3A_534 = arith.index_cast %mul3A_452 : i32 to index
        %get3A_535 = tpu.vector_load %get3A_532[%get3A_533, %get3A_534] {strides = array<i32>} : memref<200x128xi32, #tpu.memory_space<vmem>>, vector<16xi32>,
        %add3A_536 = arith.constant 1 : i32
        %add3A_537 = arith.addi %mul3A_528, %add3A_536 : i32
        %get3A_538 = arith.constant 0 : i32
        %get3A_539 = arith.constant 0 : i32
        %get3A_540 = tpu.memref_slice %arg5[%scan3A_380, %get3A_538, %get3A_539] : memref<2x200x128xi32, #tpu.memory_space<vmem>> -> memref<1x200x128xi32, #tpu.memory_space<vmem>>
        %get3A_541 = tpu.memref_squeeze %get3A_540 : memref<1x200x128xi32, #tpu.memory_space<vmem>> -> memref<200x128xi32, #tpu.memory_space<vmem>>
        %get3A_542 = arith.index_cast %add3A_537 : i32 to index
        %get3A_543 = arith.index_cast %mul3A_452 : i32 to index
        %get3A_544 = tpu.vector_load %get3A_541[%get3A_542, %get3A_543] {strides = array<i32>} : memref<200x128xi32, #tpu.memory_space<vmem>>, vector<16xi32>,
        %add3A_545 = arith.constant 2 : i32
        %add3A_546 = arith.addi %mul3A_528, %add3A_545 : i32
        %get3A_547 = arith.constant 0 : i32
        %get3A_548 = arith.constant 0 : i32
        %get3A_549 = tpu.memref_slice %arg5[%scan3A_380, %get3A_547, %get3A_548] : memref<2x200x128xi32, #tpu.memory_space<vmem>> -> memref<1x200x128xi32, #tpu.memory_space<vmem>>
        %get3A_550 = tpu.memref_squeeze %get3A_549 : memref<1x200x128xi32, #tpu.memory_space<vmem>> -> memref<200x128xi32, #tpu.memory_space<vmem>>
        %get3A_551 = arith.index_cast %add3A_546 : i32 to index
        %get3A_552 = arith.index_cast %mul3A_452 : i32 to index
        %get3A_553 = tpu.vector_load %get3A_550[%get3A_551, %get3A_552] {strides = array<i32>} : memref<200x128xi32, #tpu.memory_space<vmem>>, vector<16xi32>,
        %add3A_554 = arith.constant 3 : i32
        %add3A_555 = arith.addi %mul3A_528, %add3A_554 : i32
        %get3A_556 = arith.constant 0 : i32
        %get3A_557 = arith.constant 0 : i32
        %get3A_558 = tpu.memref_slice %arg5[%scan3A_380, %get3A_556, %get3A_557] : memref<2x200x128xi32, #tpu.memory_space<vmem>> -> memref<1x200x128xi32, #tpu.memory_space<vmem>>
        %get3A_559 = tpu.memref_squeeze %get3A_558 : memref<1x200x128xi32, #tpu.memory_space<vmem>> -> memref<200x128xi32, #tpu.memory_space<vmem>>
        %get3A_560 = arith.index_cast %add3A_555 : i32 to index
        %get3A_561 = arith.index_cast %mul3A_452 : i32 to index
        %get3A_562 = tpu.vector_load %get3A_559[%get3A_560, %get3A_561] {strides = array<i32>} : memref<200x128xi32, #tpu.memory_space<vmem>>, vector<16xi32>,
        %mul3A_563 = arith.constant 7 : i32
        %mul3A_564 = vector.broadcast %mul3A_563 : i32 to vector<16xi32>
        %mul3A_565 = arith.muli %get3A_535, %mul3A_564 : vector<16xi32>
        %add3A_566 = arith.addi %mul3A_565, %get3A_544 : vector<16xi32>
        %mul3A_567 = arith.constant 7 : i32
        %mul3A_568 = vector.broadcast %mul3A_567 : i32 to vector<16xi32>
        %mul3A_569 = arith.muli %add3A_566, %mul3A_568 : vector<16xi32>
        %add3A_570 = arith.addi %mul3A_569, %get3A_553 : vector<16xi32>
        %mul3A_571 = arith.constant 7 : i32
        %mul3A_572 = vector.broadcast %mul3A_571 : i32 to vector<16xi32>
        %mul3A_573 = arith.muli %add3A_570, %mul3A_572 : vector<16xi32>
        %add3A_574 = arith.addi %mul3A_573, %get3A_562 : vector<16xi32>
        %gather3A_575 = tpu.vector_load_idx %arg8[%add3A_574] : memref<2416xf32, #tpu.memory_space<vmem>>[vector<16xi32>], vector<16xf32>,
        %add3A_576 = arith.addf %add3A_524, %gather3A_575 : vector<16xf32>
        %scan3A_577 = arith.constant 2 : i32
        %scan3A_578 = arith.addi %scan3A_474, %scan3A_577 : i32
        %mul3A_579 = arith.constant 4 : i32
        %mul3A_580 = arith.muli %scan3A_578, %mul3A_579 : i32
        %get3A_581 = arith.constant 0 : i32
        %get3A_582 = arith.constant 0 : i32
        %get3A_583 = tpu.memref_slice %arg5[%scan3A_380, %get3A_581, %get3A_582] : memref<2x200x128xi32, #tpu.memory_space<vmem>> -> memref<1x200x128xi32, #tpu.memory_space<vmem>>
        %get3A_584 = tpu.memref_squeeze %get3A_583 : memref<1x200x128xi32, #tpu.memory_space<vmem>> -> memref<200x128xi32, #tpu.memory_space<vmem>>
        %get3A_585 = arith.index_cast %mul3A_580 : i32 to index
        %get3A_586 = arith.index_cast %mul3A_452 : i32 to index
        %get3A_587 = tpu.vector_load %get3A_584[%get3A_585, %get3A_586] {strides = array<i32>} : memref<200x128xi32, #tpu.memory_space<vmem>>, vector<16xi32>,
        %add3A_588 = arith.constant 1 : i32
        %add3A_589 = arith.addi %mul3A_580, %add3A_588 : i32
        %get3A_590 = arith.constant 0 : i32
        %get3A_591 = arith.constant 0 : i32
        %get3A_592 = tpu.memref_slice %arg5[%scan3A_380, %get3A_590, %get3A_591] : memref<2x200x128xi32, #tpu.memory_space<vmem>> -> memref<1x200x128xi32, #tpu.memory_space<vmem>>
        %get3A_593 = tpu.memref_squeeze %get3A_592 : memref<1x200x128xi32, #tpu.memory_space<vmem>> -> memref<200x128xi32, #tpu.memory_space<vmem>>
        %get3A_594 = arith.index_cast %add3A_589 : i32 to index
        %get3A_595 = arith.index_cast %mul3A_452 : i32 to index
        %get3A_596 = tpu.vector_load %get3A_593[%get3A_594, %get3A_595] {strides = array<i32>} : memref<200x128xi32, #tpu.memory_space<vmem>>, vector<16xi32>,
        %add3A_597 = arith.constant 2 : i32
        %add3A_598 = arith.addi %mul3A_580, %add3A_597 : i32
        %get3A_599 = arith.constant 0 : i32
        %get3A_600 = arith.constant 0 : i32
        %get3A_601 = tpu.memref_slice %arg5[%scan3A_380, %get3A_599, %get3A_600] : memref<2x200x128xi32, #tpu.memory_space<vmem>> -> memref<1x200x128xi32, #tpu.memory_space<vmem>>
        %get3A_602 = tpu.memref_squeeze %get3A_601 : memref<1x200x128xi32, #tpu.memory_space<vmem>> -> memref<200x128xi32, #tpu.memory_space<vmem>>
        %get3A_603 = arith.index_cast %add3A_598 : i32 to index
        %get3A_604 = arith.index_cast %mul3A_452 : i32 to index
        %get3A_605 = tpu.vector_load %get3A_602[%get3A_603, %get3A_604] {strides = array<i32>} : memref<200x128xi32, #tpu.memory_space<vmem>>, vector<16xi32>,
        %add3A_606 = arith.constant 3 : i32
        %add3A_607 = arith.addi %mul3A_580, %add3A_606 : i32
        %get3A_608 = arith.constant 0 : i32
        %get3A_609 = arith.constant 0 : i32
        %get3A_610 = tpu.memref_slice %arg5[%scan3A_380, %get3A_608, %get3A_609] : memref<2x200x128xi32, #tpu.memory_space<vmem>> -> memref<1x200x128xi32, #tpu.memory_space<vmem>>
        %get3A_611 = tpu.memref_squeeze %get3A_610 : memref<1x200x128xi32, #tpu.memory_space<vmem>> -> memref<200x128xi32, #tpu.memory_space<vmem>>
        %get3A_612 = arith.index_cast %add3A_607 : i32 to index
        %get3A_613 = arith.index_cast %mul3A_452 : i32 to index
        %get3A_614 = tpu.vector_load %get3A_611[%get3A_612, %get3A_613] {strides = array<i32>} : memref<200x128xi32, #tpu.memory_space<vmem>>, vector<16xi32>,
        %mul3A_615 = arith.constant 7 : i32
        %mul3A_616 = vector.broadcast %mul3A_615 : i32 to vector<16xi32>
        %mul3A_617 = arith.muli %get3A_587, %mul3A_616 : vector<16xi32>
        %add3A_618 = arith.addi %mul3A_617, %get3A_596 : vector<16xi32>
        %mul3A_619 = arith.constant 7 : i32
        %mul3A_620 = vector.broadcast %mul3A_619 : i32 to vector<16xi32>
        %mul3A_621 = arith.muli %add3A_618, %mul3A_620 : vector<16xi32>
        %add3A_622 = arith.addi %mul3A_621, %get3A_605 : vector<16xi32>
        %mul3A_623 = arith.constant 7 : i32
        %mul3A_624 = vector.broadcast %mul3A_623 : i32 to vector<16xi32>
        %mul3A_625 = arith.muli %add3A_622, %mul3A_624 : vector<16xi32>
        %add3A_626 = arith.addi %mul3A_625, %get3A_614 : vector<16xi32>
        %gather3A_627 = tpu.vector_load_idx %arg8[%add3A_626] : memref<2416xf32, #tpu.memory_space<vmem>>[vector<16xi32>], vector<16xf32>,
        %add3A_628 = arith.addf %add3A_576, %gather3A_627 : vector<16xf32>
        %scan3A_629 = arith.constant 3 : i32
        %scan3A_630 = arith.addi %scan3A_474, %scan3A_629 : i32
        %mul3A_631 = arith.constant 4 : i32
        %mul3A_632 = arith.muli %scan3A_630, %mul3A_631 : i32
        %get3A_633 = arith.constant 0 : i32
        %get3A_634 = arith.constant 0 : i32
        %get3A_635 = tpu.memref_slice %arg5[%scan3A_380, %get3A_633, %get3A_634] : memref<2x200x128xi32, #tpu.memory_space<vmem>> -> memref<1x200x128xi32, #tpu.memory_space<vmem>>
        %get3A_636 = tpu.memref_squeeze %get3A_635 : memref<1x200x128xi32, #tpu.memory_space<vmem>> -> memref<200x128xi32, #tpu.memory_space<vmem>>
        %get3A_637 = arith.index_cast %mul3A_632 : i32 to index
        %get3A_638 = arith.index_cast %mul3A_452 : i32 to index
        %get3A_639 = tpu.vector_load %get3A_636[%get3A_637, %get3A_638] {strides = array<i32>} : memref<200x128xi32, #tpu.memory_space<vmem>>, vector<16xi32>,
        %add3A_640 = arith.constant 1 : i32
        %add3A_641 = arith.addi %mul3A_632, %add3A_640 : i32
        %get3A_642 = arith.constant 0 : i32
        %get3A_643 = arith.constant 0 : i32
        %get3A_644 = tpu.memref_slice %arg5[%scan3A_380, %get3A_642, %get3A_643] : memref<2x200x128xi32, #tpu.memory_space<vmem>> -> memref<1x200x128xi32, #tpu.memory_space<vmem>>
        %get3A_645 = tpu.memref_squeeze %get3A_644 : memref<1x200x128xi32, #tpu.memory_space<vmem>> -> memref<200x128xi32, #tpu.memory_space<vmem>>
        %get3A_646 = arith.index_cast %add3A_641 : i32 to index
        %get3A_647 = arith.index_cast %mul3A_452 : i32 to index
        %get3A_648 = tpu.vector_load %get3A_645[%get3A_646, %get3A_647] {strides = array<i32>} : memref<200x128xi32, #tpu.memory_space<vmem>>, vector<16xi32>,
        %add3A_649 = arith.constant 2 : i32
        %add3A_650 = arith.addi %mul3A_632, %add3A_649 : i32
        %get3A_651 = arith.constant 0 : i32
        %get3A_652 = arith.constant 0 : i32
        %get3A_653 = tpu.memref_slice %arg5[%scan3A_380, %get3A_651, %get3A_652] : memref<2x200x128xi32, #tpu.memory_space<vmem>> -> memref<1x200x128xi32, #tpu.memory_space<vmem>>
        %get3A_654 = tpu.memref_squeeze %get3A_653 : memref<1x200x128xi32, #tpu.memory_space<vmem>> -> memref<200x128xi32, #tpu.memory_space<vmem>>
        %get3A_655 = arith.index_cast %add3A_650 : i32 to index
        %get3A_656 = arith.index_cast %mul3A_452 : i32 to index
        %get3A_657 = tpu.vector_load %get3A_654[%get3A_655, %get3A_656] {strides = array<i32>} : memref<200x128xi32, #tpu.memory_space<vmem>>, vector<16xi32>,
        %add3A_658 = arith.constant 3 : i32
        %add3A_659 = arith.addi %mul3A_632, %add3A_658 : i32
        %get3A_660 = arith.constant 0 : i32
        %get3A_661 = arith.constant 0 : i32
        %get3A_662 = tpu.memref_slice %arg5[%scan3A_380, %get3A_660, %get3A_661] : memref<2x200x128xi32, #tpu.memory_space<vmem>> -> memref<1x200x128xi32, #tpu.memory_space<vmem>>
        %get3A_663 = tpu.memref_squeeze %get3A_662 : memref<1x200x128xi32, #tpu.memory_space<vmem>> -> memref<200x128xi32, #tpu.memory_space<vmem>>
        %get3A_664 = arith.index_cast %add3A_659 : i32 to index
        %get3A_665 = arith.index_cast %mul3A_452 : i32 to index
        %get3A_666 = tpu.vector_load %get3A_663[%get3A_664, %get3A_665] {strides = array<i32>} : memref<200x128xi32, #tpu.memory_space<vmem>>, vector<16xi32>,
        %mul3A_667 = arith.constant 7 : i32
        %mul3A_668 = vector.broadcast %mul3A_667 : i32 to vector<16xi32>
        %mul3A_669 = arith.muli %get3A_639, %mul3A_668 : vector<16xi32>
        %add3A_670 = arith.addi %mul3A_669, %get3A_648 : vector<16xi32>
        %mul3A_671 = arith.constant 7 : i32
        %mul3A_672 = vector.broadcast %mul3A_671 : i32 to vector<16xi32>
        %mul3A_673 = arith.muli %add3A_670, %mul3A_672 : vector<16xi32>
        %add3A_674 = arith.addi %mul3A_673, %get3A_657 : vector<16xi32>
        %mul3A_675 = arith.constant 7 : i32
        %mul3A_676 = vector.broadcast %mul3A_675 : i32 to vector<16xi32>
        %mul3A_677 = arith.muli %add3A_674, %mul3A_676 : vector<16xi32>
        %add3A_678 = arith.addi %mul3A_677, %get3A_666 : vector<16xi32>
        %gather3A_679 = tpu.vector_load_idx %arg8[%add3A_678] : memref<2416xf32, #tpu.memory_space<vmem>>[vector<16xi32>], vector<16xf32>,
        %add3A_680 = arith.addf %add3A_628, %gather3A_679 : vector<16xf32>
        %scan3A_681 = arith.constant 4 : i32
        %scan3A_682 = arith.addi %scan3A_474, %scan3A_681 : i32
        %mul3A_683 = arith.constant 4 : i32
        %mul3A_684 = arith.muli %scan3A_682, %mul3A_683 : i32
        %get3A_685 = arith.constant 0 : i32
        %get3A_686 = arith.constant 0 : i32
        %get3A_687 = tpu.memref_slice %arg5[%scan3A_380, %get3A_685, %get3A_686] : memref<2x200x128xi32, #tpu.memory_space<vmem>> -> memref<1x200x128xi32, #tpu.memory_space<vmem>>
        %get3A_688 = tpu.memref_squeeze %get3A_687 : memref<1x200x128xi32, #tpu.memory_space<vmem>> -> memref<200x128xi32, #tpu.memory_space<vmem>>
        %get3A_689 = arith.index_cast %mul3A_684 : i32 to index
        %get3A_690 = arith.index_cast %mul3A_452 : i32 to index
        %get3A_691 = tpu.vector_load %get3A_688[%get3A_689, %get3A_690] {strides = array<i32>} : memref<200x128xi32, #tpu.memory_space<vmem>>, vector<16xi32>,
        %add3A_692 = arith.constant 1 : i32
        %add3A_693 = arith.addi %mul3A_684, %add3A_692 : i32
        %get3A_694 = arith.constant 0 : i32
        %get3A_695 = arith.constant 0 : i32
        %get3A_696 = tpu.memref_slice %arg5[%scan3A_380, %get3A_694, %get3A_695] : memref<2x200x128xi32, #tpu.memory_space<vmem>> -> memref<1x200x128xi32, #tpu.memory_space<vmem>>
        %get3A_697 = tpu.memref_squeeze %get3A_696 : memref<1x200x128xi32, #tpu.memory_space<vmem>> -> memref<200x128xi32, #tpu.memory_space<vmem>>
        %get3A_698 = arith.index_cast %add3A_693 : i32 to index
        %get3A_699 = arith.index_cast %mul3A_452 : i32 to index
        %get3A_700 = tpu.vector_load %get3A_697[%get3A_698, %get3A_699] {strides = array<i32>} : memref<200x128xi32, #tpu.memory_space<vmem>>, vector<16xi32>,
        %add3A_701 = arith.constant 2 : i32
        %add3A_702 = arith.addi %mul3A_684, %add3A_701 : i32
        %get3A_703 = arith.constant 0 : i32
        %get3A_704 = arith.constant 0 : i32
        %get3A_705 = tpu.memref_slice %arg5[%scan3A_380, %get3A_703, %get3A_704] : memref<2x200x128xi32, #tpu.memory_space<vmem>> -> memref<1x200x128xi32, #tpu.memory_space<vmem>>
        %get3A_706 = tpu.memref_squeeze %get3A_705 : memref<1x200x128xi32, #tpu.memory_space<vmem>> -> memref<200x128xi32, #tpu.memory_space<vmem>>
        %get3A_707 = arith.index_cast %add3A_702 : i32 to index
        %get3A_708 = arith.index_cast %mul3A_452 : i32 to index
        %get3A_709 = tpu.vector_load %get3A_706[%get3A_707, %get3A_708] {strides = array<i32>} : memref<200x128xi32, #tpu.memory_space<vmem>>, vector<16xi32>,
        %add3A_710 = arith.constant 3 : i32
        %add3A_711 = arith.addi %mul3A_684, %add3A_710 : i32
        %get3A_712 = arith.constant 0 : i32
        %get3A_713 = arith.constant 0 : i32
        %get3A_714 = tpu.memref_slice %arg5[%scan3A_380, %get3A_712, %get3A_713] : memref<2x200x128xi32, #tpu.memory_space<vmem>> -> memref<1x200x128xi32, #tpu.memory_space<vmem>>
        %get3A_715 = tpu.memref_squeeze %get3A_714 : memref<1x200x128xi32, #tpu.memory_space<vmem>> -> memref<200x128xi32, #tpu.memory_space<vmem>>
        %get3A_716 = arith.index_cast %add3A_711 : i32 to index
        %get3A_717 = arith.index_cast %mul3A_452 : i32 to index
        %get3A_718 = tpu.vector_load %get3A_715[%get3A_716, %get3A_717] {strides = array<i32>} : memref<200x128xi32, #tpu.memory_space<vmem>>, vector<16xi32>,
        %mul3A_719 = arith.constant 7 : i32
        %mul3A_720 = vector.broadcast %mul3A_719 : i32 to vector<16xi32>
        %mul3A_721 = arith.muli %get3A_691, %mul3A_720 : vector<16xi32>
        %add3A_722 = arith.addi %mul3A_721, %get3A_700 : vector<16xi32>
        %mul3A_723 = arith.constant 7 : i32
        %mul3A_724 = vector.broadcast %mul3A_723 : i32 to vector<16xi32>
        %mul3A_725 = arith.muli %add3A_722, %mul3A_724 : vector<16xi32>
        %add3A_726 = arith.addi %mul3A_725, %get3A_709 : vector<16xi32>
        %mul3A_727 = arith.constant 7 : i32
        %mul3A_728 = vector.broadcast %mul3A_727 : i32 to vector<16xi32>
        %mul3A_729 = arith.muli %add3A_726, %mul3A_728 : vector<16xi32>
        %add3A_730 = arith.addi %mul3A_729, %get3A_718 : vector<16xi32>
        %gather3A_731 = tpu.vector_load_idx %arg8[%add3A_730] : memref<2416xf32, #tpu.memory_space<vmem>>[vector<16xi32>], vector<16xf32>,
        %add3A_732 = arith.addf %add3A_680, %gather3A_731 : vector<16xf32>
        scf.yield %add3A_732 : vector<16xf32>
      }
      %scan3A_460 = arith.constant 50 : i32
      %add3A_461 = arith.addf %scan3A_459, %gather3A_50 : vector<16xf32>
      %neg3A = arith.constant 0.000000e+00 : f32
      %neg3A_462 = vector.broadcast %neg3A : f32 to vector<16xf32>
      %neg3A_463 = arith.subf %neg3A_462, %add3A_461 : vector<16xf32>
      %exp3A = math.exp %neg3A_463 : vector<16xf32>
      %add3A_464 = arith.constant 1.000000e+00 : f32
      %add3A_465 = vector.broadcast %add3A_464 : f32 to vector<16xf32>
      %add3A_466 = arith.addf %add3A_465, %exp3A : vector<16xf32>
      %div3A_467 = arith.constant 1.000000e+00 : f32
      %div3A_468 = vector.broadcast %div3A_467 : f32 to vector<16xf32>
      %div3A_469 = arith.divf %div3A_468, %add3A_466 : vector<16xf32>
      %add3A_470 = arith.constant 128 : i32
      %add3A_471 = arith.addi %add3A_470, %mul3A_452 : i32
      %swap3A_472 = arith.index_cast %add3A_471 : i32 to index
      %swap3A_473 = tpu.vector_load %arg9[%swap3A_472] {strides = array<i32>} : memref<512xf32, #tpu.memory_space<vmem>>, vector<16xf32>,
      tpu.vector_store %arg9[%swap3A_472], %div3A_469 {strides = array<i32>} : memref<512xf32, #tpu.memory_space<vmem>>, vector<16xf32>,
    }
    %scan3A_385 = arith.constant 8 : i32
    %add3A_386 = arith.constant 384 : i32
    %add3A_387 = arith.addi %mul3A_2, %add3A_386 : i32
    %dma_start3A_388 = arith.constant 1 : i32
    %dma_start3A_389 = arith.constant 1 : i32
    %dma_start3A_390 = arith.constant 0 : i32
    %dma_start3A_391 = arith.constant 0 : i32
    %dma_start3A_392 = tpu.memref_slice %arg5[%dma_start3A_388, %dma_start3A_390, %dma_start3A_391] : memref<2x200x128xi32, #tpu.memory_space<vmem>> -> memref<1x200x128xi32, #tpu.memory_space<vmem>>
    %dma_start3A_393 = tpu.memref_squeeze %dma_start3A_392 : memref<1x200x128xi32, #tpu.memory_space<vmem>> -> memref<200x128xi32, #tpu.memory_space<vmem>>
    %dma_start3A_394 = arith.constant 0 : i32
    %dma_start3A_395 = tpu.memref_slice %arg2[%dma_start3A_394, %add3A_387] : memref<200x16384xi32, #tpu.memory_space<hbm>> -> memref<200x128xi32, #tpu.memory_space<hbm>>
    %dma_start3A_396 = tpu.memref_slice %arg11[%dma_start3A_389] : memref<2x!tpu.dma_semaphore, #tpu.memory_space<semaphore_mem>> -> memref<1x!tpu.dma_semaphore, #tpu.memory_space<semaphore_mem>>
    %dma_start3A_397 = tpu.memref_squeeze %dma_start3A_396 : memref<1x!tpu.dma_semaphore, #tpu.memory_space<semaphore_mem>> -> memref<!tpu.dma_semaphore, #tpu.memory_space<semaphore_mem>>
    %dma_start3A_398 = arith.constant 0 : i32
    %dma_start3A_399 = arith.constant 0 : i32
    %dma_start3A_400 = tpu.memref_slice %arg5[%dma_start3A_388, %dma_start3A_398, %dma_start3A_399] : memref<2x200x128xi32, #tpu.memory_space<vmem>> -> memref<1x200x128xi32, #tpu.memory_space<vmem>>
    %dma_start3A_401 = tpu.memref_squeeze %dma_start3A_400 : memref<1x200x128xi32, #tpu.memory_space<vmem>> -> memref<200x128xi32, #tpu.memory_space<vmem>>
    %dma_start3A_402 = arith.constant 0 : i32
    %dma_start3A_403 = tpu.memref_slice %arg2[%dma_start3A_402, %add3A_387] : memref<200x16384xi32, #tpu.memory_space<hbm>> -> memref<200x128xi32, #tpu.memory_space<hbm>>
    tpu.enqueue_dma source(%dma_start3A_403 : memref<200x128xi32, #tpu.memory_space<hbm>>) target(%dma_start3A_401 : memref<200x128xi32, #tpu.memory_space<vmem>>) target_semaphore(%dma_start3A_397 : memref<!tpu.dma_semaphore, #tpu.memory_space<semaphore_mem>>)
    %dma_wait3A_404 = arith.constant 0 : i32
    %dma_wait3A_405 = arith.constant 0 : i32
    %dma_wait3A_406 = arith.constant 0 : i32
    %dma_wait3A_407 = arith.constant 0 : i32
    %dma_wait3A_408 = tpu.memref_slice %arg5[%dma_wait3A_404, %dma_wait3A_406, %dma_wait3A_407] : memref<2x200x128xi32, #tpu.memory_space<vmem>> -> memref<1x200x128xi32, #tpu.memory_space<vmem>>
    %dma_wait3A_409 = tpu.memref_squeeze %dma_wait3A_408 : memref<1x200x128xi32, #tpu.memory_space<vmem>> -> memref<200x128xi32, #tpu.memory_space<vmem>>
    %dma_wait3A_410 = arith.constant 0 : i32
    %dma_wait3A_411 = tpu.memref_slice %arg2[%dma_wait3A_410, %add3A_346] : memref<200x16384xi32, #tpu.memory_space<hbm>> -> memref<200x128xi32, #tpu.memory_space<hbm>>
    %dma_wait3A_412 = tpu.memref_slice %arg11[%dma_wait3A_405] : memref<2x!tpu.dma_semaphore, #tpu.memory_space<semaphore_mem>> -> memref<1x!tpu.dma_semaphore, #tpu.memory_space<semaphore_mem>>
    %dma_wait3A_413 = tpu.memref_squeeze %dma_wait3A_412 : memref<1x!tpu.dma_semaphore, #tpu.memory_space<semaphore_mem>> -> memref<!tpu.dma_semaphore, #tpu.memory_space<semaphore_mem>>
    %dma_wait3A_414 = arith.constant 0 : i32
    %dma_wait3A_415 = arith.constant 0 : i32
    %dma_wait3A_416 = tpu.memref_slice %arg5[%dma_wait3A_404, %dma_wait3A_414, %dma_wait3A_415] : memref<2x200x128xi32, #tpu.memory_space<vmem>> -> memref<1x200x128xi32, #tpu.memory_space<vmem>>
    %dma_wait3A_417 = tpu.memref_squeeze %dma_wait3A_416 : memref<1x200x128xi32, #tpu.memory_space<vmem>> -> memref<200x128xi32, #tpu.memory_space<vmem>>
    %dma_wait3A_418 = arith.constant 0 : i32
    %dma_wait3A_419 = tpu.memref_slice %arg2[%dma_wait3A_418, %add3A_346] : memref<200x16384xi32, #tpu.memory_space<hbm>> -> memref<200x128xi32, #tpu.memory_space<hbm>>
    tpu.wait_dma2 semaphore(%dma_wait3A_413 : memref<!tpu.dma_semaphore, #tpu.memory_space<semaphore_mem>>) src(%dma_wait3A_419 : memref<200x128xi32, #tpu.memory_space<hbm>>) dst(%dma_wait3A_417 : memref<200x128xi32, #tpu.memory_space<vmem>>)
    %scan3A_420 = arith.constant 0 : i32
    %scan3A_421 = arith.constant 0 : i32
    %scan3A_422 = arith.constant 0 : i32
    %scan3A_423 = arith.constant 8 : i32
    %scan3A_424 = arith.addi %scan3A_422, %scan3A_423 : i32
    %scan3A_425 = arith.constant 1 : i32
    scf.for %scan3A_450 = %scan3A_422 to %scan3A_424 step %scan3A_425  : i32 {
      %mul3A_451 = arith.constant 16 : i32
      %mul3A_452 = arith.muli %scan3A_450, %mul3A_451 : i32
      %broadcast_in_dim3A_453 = arith.constant 0.000000e+00 : f32
      %broadcast_in_dim3A_454 = vector.broadcast %broadcast_in_dim3A_453 : f32 to vector<16xf32>
      %scan3A_455 = arith.constant 0 : i32
      %scan3A_456 = arith.constant 50 : i32
      %scan3A_457 = arith.addi %scan3A_455, %scan3A_456 : i32
      %scan3A_458 = arith.constant 5 : i32
      %scan3A_459 = scf.for %scan3A_474 = %scan3A_455 to %scan3A_457 step %scan3A_458 iter_args(%scan3A_475 = %broadcast_in_dim3A_454) -> (vector<16xf32>)  : i32 {
        %mul3A_476 = arith.constant 4 : i32
        %mul3A_477 = arith.muli %scan3A_474, %mul3A_476 : i32
        %get3A = arith.constant 0 : i32
        %get3A_478 = arith.constant 0 : i32
        %get3A_479 = tpu.memref_slice %arg5[%scan3A_421, %get3A, %get3A_478] : memref<2x200x128xi32, #tpu.memory_space<vmem>> -> memref<1x200x128xi32, #tpu.memory_space<vmem>>
        %get3A_480 = tpu.memref_squeeze %get3A_479 : memref<1x200x128xi32, #tpu.memory_space<vmem>> -> memref<200x128xi32, #tpu.memory_space<vmem>>
        %get3A_481 = arith.index_cast %mul3A_477 : i32 to index
        %get3A_482 = arith.index_cast %mul3A_452 : i32 to index
        %get3A_483 = tpu.vector_load %get3A_480[%get3A_481, %get3A_482] {strides = array<i32>} : memref<200x128xi32, #tpu.memory_space<vmem>>, vector<16xi32>,
        %add3A_484 = arith.constant 1 : i32
        %add3A_485 = arith.addi %mul3A_477, %add3A_484 : i32
        %get3A_486 = arith.constant 0 : i32
        %get3A_487 = arith.constant 0 : i32
        %get3A_488 = tpu.memref_slice %arg5[%scan3A_421, %get3A_486, %get3A_487] : memref<2x200x128xi32, #tpu.memory_space<vmem>> -> memref<1x200x128xi32, #tpu.memory_space<vmem>>
        %get3A_489 = tpu.memref_squeeze %get3A_488 : memref<1x200x128xi32, #tpu.memory_space<vmem>> -> memref<200x128xi32, #tpu.memory_space<vmem>>
        %get3A_490 = arith.index_cast %add3A_485 : i32 to index
        %get3A_491 = arith.index_cast %mul3A_452 : i32 to index
        %get3A_492 = tpu.vector_load %get3A_489[%get3A_490, %get3A_491] {strides = array<i32>} : memref<200x128xi32, #tpu.memory_space<vmem>>, vector<16xi32>,
        %add3A_493 = arith.constant 2 : i32
        %add3A_494 = arith.addi %mul3A_477, %add3A_493 : i32
        %get3A_495 = arith.constant 0 : i32
        %get3A_496 = arith.constant 0 : i32
        %get3A_497 = tpu.memref_slice %arg5[%scan3A_421, %get3A_495, %get3A_496] : memref<2x200x128xi32, #tpu.memory_space<vmem>> -> memref<1x200x128xi32, #tpu.memory_space<vmem>>
        %get3A_498 = tpu.memref_squeeze %get3A_497 : memref<1x200x128xi32, #tpu.memory_space<vmem>> -> memref<200x128xi32, #tpu.memory_space<vmem>>
        %get3A_499 = arith.index_cast %add3A_494 : i32 to index
        %get3A_500 = arith.index_cast %mul3A_452 : i32 to index
        %get3A_501 = tpu.vector_load %get3A_498[%get3A_499, %get3A_500] {strides = array<i32>} : memref<200x128xi32, #tpu.memory_space<vmem>>, vector<16xi32>,
        %add3A_502 = arith.constant 3 : i32
        %add3A_503 = arith.addi %mul3A_477, %add3A_502 : i32
        %get3A_504 = arith.constant 0 : i32
        %get3A_505 = arith.constant 0 : i32
        %get3A_506 = tpu.memref_slice %arg5[%scan3A_421, %get3A_504, %get3A_505] : memref<2x200x128xi32, #tpu.memory_space<vmem>> -> memref<1x200x128xi32, #tpu.memory_space<vmem>>
        %get3A_507 = tpu.memref_squeeze %get3A_506 : memref<1x200x128xi32, #tpu.memory_space<vmem>> -> memref<200x128xi32, #tpu.memory_space<vmem>>
        %get3A_508 = arith.index_cast %add3A_503 : i32 to index
        %get3A_509 = arith.index_cast %mul3A_452 : i32 to index
        %get3A_510 = tpu.vector_load %get3A_507[%get3A_508, %get3A_509] {strides = array<i32>} : memref<200x128xi32, #tpu.memory_space<vmem>>, vector<16xi32>,
        %mul3A_511 = arith.constant 7 : i32
        %mul3A_512 = vector.broadcast %mul3A_511 : i32 to vector<16xi32>
        %mul3A_513 = arith.muli %get3A_483, %mul3A_512 : vector<16xi32>
        %add3A_514 = arith.addi %mul3A_513, %get3A_492 : vector<16xi32>
        %mul3A_515 = arith.constant 7 : i32
        %mul3A_516 = vector.broadcast %mul3A_515 : i32 to vector<16xi32>
        %mul3A_517 = arith.muli %add3A_514, %mul3A_516 : vector<16xi32>
        %add3A_518 = arith.addi %mul3A_517, %get3A_501 : vector<16xi32>
        %mul3A_519 = arith.constant 7 : i32
        %mul3A_520 = vector.broadcast %mul3A_519 : i32 to vector<16xi32>
        %mul3A_521 = arith.muli %add3A_518, %mul3A_520 : vector<16xi32>
        %add3A_522 = arith.addi %mul3A_521, %get3A_510 : vector<16xi32>
        %gather3A_523 = tpu.vector_load_idx %arg8[%add3A_522] : memref<2416xf32, #tpu.memory_space<vmem>>[vector<16xi32>], vector<16xf32>,
        %add3A_524 = arith.addf %scan3A_475, %gather3A_523 : vector<16xf32>
        %scan3A_525 = arith.constant 1 : i32
        %scan3A_526 = arith.addi %scan3A_474, %scan3A_525 : i32
        %mul3A_527 = arith.constant 4 : i32
        %mul3A_528 = arith.muli %scan3A_526, %mul3A_527 : i32
        %get3A_529 = arith.constant 0 : i32
        %get3A_530 = arith.constant 0 : i32
        %get3A_531 = tpu.memref_slice %arg5[%scan3A_421, %get3A_529, %get3A_530] : memref<2x200x128xi32, #tpu.memory_space<vmem>> -> memref<1x200x128xi32, #tpu.memory_space<vmem>>
        %get3A_532 = tpu.memref_squeeze %get3A_531 : memref<1x200x128xi32, #tpu.memory_space<vmem>> -> memref<200x128xi32, #tpu.memory_space<vmem>>
        %get3A_533 = arith.index_cast %mul3A_528 : i32 to index
        %get3A_534 = arith.index_cast %mul3A_452 : i32 to index
        %get3A_535 = tpu.vector_load %get3A_532[%get3A_533, %get3A_534] {strides = array<i32>} : memref<200x128xi32, #tpu.memory_space<vmem>>, vector<16xi32>,
        %add3A_536 = arith.constant 1 : i32
        %add3A_537 = arith.addi %mul3A_528, %add3A_536 : i32
        %get3A_538 = arith.constant 0 : i32
        %get3A_539 = arith.constant 0 : i32
        %get3A_540 = tpu.memref_slice %arg5[%scan3A_421, %get3A_538, %get3A_539] : memref<2x200x128xi32, #tpu.memory_space<vmem>> -> memref<1x200x128xi32, #tpu.memory_space<vmem>>
        %get3A_541 = tpu.memref_squeeze %get3A_540 : memref<1x200x128xi32, #tpu.memory_space<vmem>> -> memref<200x128xi32, #tpu.memory_space<vmem>>
        %get3A_542 = arith.index_cast %add3A_537 : i32 to index
        %get3A_543 = arith.index_cast %mul3A_452 : i32 to index
        %get3A_544 = tpu.vector_load %get3A_541[%get3A_542, %get3A_543] {strides = array<i32>} : memref<200x128xi32, #tpu.memory_space<vmem>>, vector<16xi32>,
        %add3A_545 = arith.constant 2 : i32
        %add3A_546 = arith.addi %mul3A_528, %add3A_545 : i32
        %get3A_547 = arith.constant 0 : i32
        %get3A_548 = arith.constant 0 : i32
        %get3A_549 = tpu.memref_slice %arg5[%scan3A_421, %get3A_547, %get3A_548] : memref<2x200x128xi32, #tpu.memory_space<vmem>> -> memref<1x200x128xi32, #tpu.memory_space<vmem>>
        %get3A_550 = tpu.memref_squeeze %get3A_549 : memref<1x200x128xi32, #tpu.memory_space<vmem>> -> memref<200x128xi32, #tpu.memory_space<vmem>>
        %get3A_551 = arith.index_cast %add3A_546 : i32 to index
        %get3A_552 = arith.index_cast %mul3A_452 : i32 to index
        %get3A_553 = tpu.vector_load %get3A_550[%get3A_551, %get3A_552] {strides = array<i32>} : memref<200x128xi32, #tpu.memory_space<vmem>>, vector<16xi32>,
        %add3A_554 = arith.constant 3 : i32
        %add3A_555 = arith.addi %mul3A_528, %add3A_554 : i32
        %get3A_556 = arith.constant 0 : i32
        %get3A_557 = arith.constant 0 : i32
        %get3A_558 = tpu.memref_slice %arg5[%scan3A_421, %get3A_556, %get3A_557] : memref<2x200x128xi32, #tpu.memory_space<vmem>> -> memref<1x200x128xi32, #tpu.memory_space<vmem>>
        %get3A_559 = tpu.memref_squeeze %get3A_558 : memref<1x200x128xi32, #tpu.memory_space<vmem>> -> memref<200x128xi32, #tpu.memory_space<vmem>>
        %get3A_560 = arith.index_cast %add3A_555 : i32 to index
        %get3A_561 = arith.index_cast %mul3A_452 : i32 to index
        %get3A_562 = tpu.vector_load %get3A_559[%get3A_560, %get3A_561] {strides = array<i32>} : memref<200x128xi32, #tpu.memory_space<vmem>>, vector<16xi32>,
        %mul3A_563 = arith.constant 7 : i32
        %mul3A_564 = vector.broadcast %mul3A_563 : i32 to vector<16xi32>
        %mul3A_565 = arith.muli %get3A_535, %mul3A_564 : vector<16xi32>
        %add3A_566 = arith.addi %mul3A_565, %get3A_544 : vector<16xi32>
        %mul3A_567 = arith.constant 7 : i32
        %mul3A_568 = vector.broadcast %mul3A_567 : i32 to vector<16xi32>
        %mul3A_569 = arith.muli %add3A_566, %mul3A_568 : vector<16xi32>
        %add3A_570 = arith.addi %mul3A_569, %get3A_553 : vector<16xi32>
        %mul3A_571 = arith.constant 7 : i32
        %mul3A_572 = vector.broadcast %mul3A_571 : i32 to vector<16xi32>
        %mul3A_573 = arith.muli %add3A_570, %mul3A_572 : vector<16xi32>
        %add3A_574 = arith.addi %mul3A_573, %get3A_562 : vector<16xi32>
        %gather3A_575 = tpu.vector_load_idx %arg8[%add3A_574] : memref<2416xf32, #tpu.memory_space<vmem>>[vector<16xi32>], vector<16xf32>,
        %add3A_576 = arith.addf %add3A_524, %gather3A_575 : vector<16xf32>
        %scan3A_577 = arith.constant 2 : i32
        %scan3A_578 = arith.addi %scan3A_474, %scan3A_577 : i32
        %mul3A_579 = arith.constant 4 : i32
        %mul3A_580 = arith.muli %scan3A_578, %mul3A_579 : i32
        %get3A_581 = arith.constant 0 : i32
        %get3A_582 = arith.constant 0 : i32
        %get3A_583 = tpu.memref_slice %arg5[%scan3A_421, %get3A_581, %get3A_582] : memref<2x200x128xi32, #tpu.memory_space<vmem>> -> memref<1x200x128xi32, #tpu.memory_space<vmem>>
        %get3A_584 = tpu.memref_squeeze %get3A_583 : memref<1x200x128xi32, #tpu.memory_space<vmem>> -> memref<200x128xi32, #tpu.memory_space<vmem>>
        %get3A_585 = arith.index_cast %mul3A_580 : i32 to index
        %get3A_586 = arith.index_cast %mul3A_452 : i32 to index
        %get3A_587 = tpu.vector_load %get3A_584[%get3A_585, %get3A_586] {strides = array<i32>} : memref<200x128xi32, #tpu.memory_space<vmem>>, vector<16xi32>,
        %add3A_588 = arith.constant 1 : i32
        %add3A_589 = arith.addi %mul3A_580, %add3A_588 : i32
        %get3A_590 = arith.constant 0 : i32
        %get3A_591 = arith.constant 0 : i32
        %get3A_592 = tpu.memref_slice %arg5[%scan3A_421, %get3A_590, %get3A_591] : memref<2x200x128xi32, #tpu.memory_space<vmem>> -> memref<1x200x128xi32, #tpu.memory_space<vmem>>
        %get3A_593 = tpu.memref_squeeze %get3A_592 : memref<1x200x128xi32, #tpu.memory_space<vmem>> -> memref<200x128xi32, #tpu.memory_space<vmem>>
        %get3A_594 = arith.index_cast %add3A_589 : i32 to index
        %get3A_595 = arith.index_cast %mul3A_452 : i32 to index
        %get3A_596 = tpu.vector_load %get3A_593[%get3A_594, %get3A_595] {strides = array<i32>} : memref<200x128xi32, #tpu.memory_space<vmem>>, vector<16xi32>,
        %add3A_597 = arith.constant 2 : i32
        %add3A_598 = arith.addi %mul3A_580, %add3A_597 : i32
        %get3A_599 = arith.constant 0 : i32
        %get3A_600 = arith.constant 0 : i32
        %get3A_601 = tpu.memref_slice %arg5[%scan3A_421, %get3A_599, %get3A_600] : memref<2x200x128xi32, #tpu.memory_space<vmem>> -> memref<1x200x128xi32, #tpu.memory_space<vmem>>
        %get3A_602 = tpu.memref_squeeze %get3A_601 : memref<1x200x128xi32, #tpu.memory_space<vmem>> -> memref<200x128xi32, #tpu.memory_space<vmem>>
        %get3A_603 = arith.index_cast %add3A_598 : i32 to index
        %get3A_604 = arith.index_cast %mul3A_452 : i32 to index
        %get3A_605 = tpu.vector_load %get3A_602[%get3A_603, %get3A_604] {strides = array<i32>} : memref<200x128xi32, #tpu.memory_space<vmem>>, vector<16xi32>,
        %add3A_606 = arith.constant 3 : i32
        %add3A_607 = arith.addi %mul3A_580, %add3A_606 : i32
        %get3A_608 = arith.constant 0 : i32
        %get3A_609 = arith.constant 0 : i32
        %get3A_610 = tpu.memref_slice %arg5[%scan3A_421, %get3A_608, %get3A_609] : memref<2x200x128xi32, #tpu.memory_space<vmem>> -> memref<1x200x128xi32, #tpu.memory_space<vmem>>
        %get3A_611 = tpu.memref_squeeze %get3A_610 : memref<1x200x128xi32, #tpu.memory_space<vmem>> -> memref<200x128xi32, #tpu.memory_space<vmem>>
        %get3A_612 = arith.index_cast %add3A_607 : i32 to index
        %get3A_613 = arith.index_cast %mul3A_452 : i32 to index
        %get3A_614 = tpu.vector_load %get3A_611[%get3A_612, %get3A_613] {strides = array<i32>} : memref<200x128xi32, #tpu.memory_space<vmem>>, vector<16xi32>,
        %mul3A_615 = arith.constant 7 : i32
        %mul3A_616 = vector.broadcast %mul3A_615 : i32 to vector<16xi32>
        %mul3A_617 = arith.muli %get3A_587, %mul3A_616 : vector<16xi32>
        %add3A_618 = arith.addi %mul3A_617, %get3A_596 : vector<16xi32>
        %mul3A_619 = arith.constant 7 : i32
        %mul3A_620 = vector.broadcast %mul3A_619 : i32 to vector<16xi32>
        %mul3A_621 = arith.muli %add3A_618, %mul3A_620 : vector<16xi32>
        %add3A_622 = arith.addi %mul3A_621, %get3A_605 : vector<16xi32>
        %mul3A_623 = arith.constant 7 : i32
        %mul3A_624 = vector.broadcast %mul3A_623 : i32 to vector<16xi32>
        %mul3A_625 = arith.muli %add3A_622, %mul3A_624 : vector<16xi32>
        %add3A_626 = arith.addi %mul3A_625, %get3A_614 : vector<16xi32>
        %gather3A_627 = tpu.vector_load_idx %arg8[%add3A_626] : memref<2416xf32, #tpu.memory_space<vmem>>[vector<16xi32>], vector<16xf32>,
        %add3A_628 = arith.addf %add3A_576, %gather3A_627 : vector<16xf32>
        %scan3A_629 = arith.constant 3 : i32
        %scan3A_630 = arith.addi %scan3A_474, %scan3A_629 : i32
        %mul3A_631 = arith.constant 4 : i32
        %mul3A_632 = arith.muli %scan3A_630, %mul3A_631 : i32
        %get3A_633 = arith.constant 0 : i32
        %get3A_634 = arith.constant 0 : i32
        %get3A_635 = tpu.memref_slice %arg5[%scan3A_421, %get3A_633, %get3A_634] : memref<2x200x128xi32, #tpu.memory_space<vmem>> -> memref<1x200x128xi32, #tpu.memory_space<vmem>>
        %get3A_636 = tpu.memref_squeeze %get3A_635 : memref<1x200x128xi32, #tpu.memory_space<vmem>> -> memref<200x128xi32, #tpu.memory_space<vmem>>
        %get3A_637 = arith.index_cast %mul3A_632 : i32 to index
        %get3A_638 = arith.index_cast %mul3A_452 : i32 to index
        %get3A_639 = tpu.vector_load %get3A_636[%get3A_637, %get3A_638] {strides = array<i32>} : memref<200x128xi32, #tpu.memory_space<vmem>>, vector<16xi32>,
        %add3A_640 = arith.constant 1 : i32
        %add3A_641 = arith.addi %mul3A_632, %add3A_640 : i32
        %get3A_642 = arith.constant 0 : i32
        %get3A_643 = arith.constant 0 : i32
        %get3A_644 = tpu.memref_slice %arg5[%scan3A_421, %get3A_642, %get3A_643] : memref<2x200x128xi32, #tpu.memory_space<vmem>> -> memref<1x200x128xi32, #tpu.memory_space<vmem>>
        %get3A_645 = tpu.memref_squeeze %get3A_644 : memref<1x200x128xi32, #tpu.memory_space<vmem>> -> memref<200x128xi32, #tpu.memory_space<vmem>>
        %get3A_646 = arith.index_cast %add3A_641 : i32 to index
        %get3A_647 = arith.index_cast %mul3A_452 : i32 to index
        %get3A_648 = tpu.vector_load %get3A_645[%get3A_646, %get3A_647] {strides = array<i32>} : memref<200x128xi32, #tpu.memory_space<vmem>>, vector<16xi32>,
        %add3A_649 = arith.constant 2 : i32
        %add3A_650 = arith.addi %mul3A_632, %add3A_649 : i32
        %get3A_651 = arith.constant 0 : i32
        %get3A_652 = arith.constant 0 : i32
        %get3A_653 = tpu.memref_slice %arg5[%scan3A_421, %get3A_651, %get3A_652] : memref<2x200x128xi32, #tpu.memory_space<vmem>> -> memref<1x200x128xi32, #tpu.memory_space<vmem>>
        %get3A_654 = tpu.memref_squeeze %get3A_653 : memref<1x200x128xi32, #tpu.memory_space<vmem>> -> memref<200x128xi32, #tpu.memory_space<vmem>>
        %get3A_655 = arith.index_cast %add3A_650 : i32 to index
        %get3A_656 = arith.index_cast %mul3A_452 : i32 to index
        %get3A_657 = tpu.vector_load %get3A_654[%get3A_655, %get3A_656] {strides = array<i32>} : memref<200x128xi32, #tpu.memory_space<vmem>>, vector<16xi32>,
        %add3A_658 = arith.constant 3 : i32
        %add3A_659 = arith.addi %mul3A_632, %add3A_658 : i32
        %get3A_660 = arith.constant 0 : i32
        %get3A_661 = arith.constant 0 : i32
        %get3A_662 = tpu.memref_slice %arg5[%scan3A_421, %get3A_660, %get3A_661] : memref<2x200x128xi32, #tpu.memory_space<vmem>> -> memref<1x200x128xi32, #tpu.memory_space<vmem>>
        %get3A_663 = tpu.memref_squeeze %get3A_662 : memref<1x200x128xi32, #tpu.memory_space<vmem>> -> memref<200x128xi32, #tpu.memory_space<vmem>>
        %get3A_664 = arith.index_cast %add3A_659 : i32 to index
        %get3A_665 = arith.index_cast %mul3A_452 : i32 to index
        %get3A_666 = tpu.vector_load %get3A_663[%get3A_664, %get3A_665] {strides = array<i32>} : memref<200x128xi32, #tpu.memory_space<vmem>>, vector<16xi32>,
        %mul3A_667 = arith.constant 7 : i32
        %mul3A_668 = vector.broadcast %mul3A_667 : i32 to vector<16xi32>
        %mul3A_669 = arith.muli %get3A_639, %mul3A_668 : vector<16xi32>
        %add3A_670 = arith.addi %mul3A_669, %get3A_648 : vector<16xi32>
        %mul3A_671 = arith.constant 7 : i32
        %mul3A_672 = vector.broadcast %mul3A_671 : i32 to vector<16xi32>
        %mul3A_673 = arith.muli %add3A_670, %mul3A_672 : vector<16xi32>
        %add3A_674 = arith.addi %mul3A_673, %get3A_657 : vector<16xi32>
        %mul3A_675 = arith.constant 7 : i32
        %mul3A_676 = vector.broadcast %mul3A_675 : i32 to vector<16xi32>
        %mul3A_677 = arith.muli %add3A_674, %mul3A_676 : vector<16xi32>
        %add3A_678 = arith.addi %mul3A_677, %get3A_666 : vector<16xi32>
        %gather3A_679 = tpu.vector_load_idx %arg8[%add3A_678] : memref<2416xf32, #tpu.memory_space<vmem>>[vector<16xi32>], vector<16xf32>,
        %add3A_680 = arith.addf %add3A_628, %gather3A_679 : vector<16xf32>
        %scan3A_681 = arith.constant 4 : i32
        %scan3A_682 = arith.addi %scan3A_474, %scan3A_681 : i32
        %mul3A_683 = arith.constant 4 : i32
        %mul3A_684 = arith.muli %scan3A_682, %mul3A_683 : i32
        %get3A_685 = arith.constant 0 : i32
        %get3A_686 = arith.constant 0 : i32
        %get3A_687 = tpu.memref_slice %arg5[%scan3A_421, %get3A_685, %get3A_686] : memref<2x200x128xi32, #tpu.memory_space<vmem>> -> memref<1x200x128xi32, #tpu.memory_space<vmem>>
        %get3A_688 = tpu.memref_squeeze %get3A_687 : memref<1x200x128xi32, #tpu.memory_space<vmem>> -> memref<200x128xi32, #tpu.memory_space<vmem>>
        %get3A_689 = arith.index_cast %mul3A_684 : i32 to index
        %get3A_690 = arith.index_cast %mul3A_452 : i32 to index
        %get3A_691 = tpu.vector_load %get3A_688[%get3A_689, %get3A_690] {strides = array<i32>} : memref<200x128xi32, #tpu.memory_space<vmem>>, vector<16xi32>,
        %add3A_692 = arith.constant 1 : i32
        %add3A_693 = arith.addi %mul3A_684, %add3A_692 : i32
        %get3A_694 = arith.constant 0 : i32
        %get3A_695 = arith.constant 0 : i32
        %get3A_696 = tpu.memref_slice %arg5[%scan3A_421, %get3A_694, %get3A_695] : memref<2x200x128xi32, #tpu.memory_space<vmem>> -> memref<1x200x128xi32, #tpu.memory_space<vmem>>
        %get3A_697 = tpu.memref_squeeze %get3A_696 : memref<1x200x128xi32, #tpu.memory_space<vmem>> -> memref<200x128xi32, #tpu.memory_space<vmem>>
        %get3A_698 = arith.index_cast %add3A_693 : i32 to index
        %get3A_699 = arith.index_cast %mul3A_452 : i32 to index
        %get3A_700 = tpu.vector_load %get3A_697[%get3A_698, %get3A_699] {strides = array<i32>} : memref<200x128xi32, #tpu.memory_space<vmem>>, vector<16xi32>,
        %add3A_701 = arith.constant 2 : i32
        %add3A_702 = arith.addi %mul3A_684, %add3A_701 : i32
        %get3A_703 = arith.constant 0 : i32
        %get3A_704 = arith.constant 0 : i32
        %get3A_705 = tpu.memref_slice %arg5[%scan3A_421, %get3A_703, %get3A_704] : memref<2x200x128xi32, #tpu.memory_space<vmem>> -> memref<1x200x128xi32, #tpu.memory_space<vmem>>
        %get3A_706 = tpu.memref_squeeze %get3A_705 : memref<1x200x128xi32, #tpu.memory_space<vmem>> -> memref<200x128xi32, #tpu.memory_space<vmem>>
        %get3A_707 = arith.index_cast %add3A_702 : i32 to index
        %get3A_708 = arith.index_cast %mul3A_452 : i32 to index
        %get3A_709 = tpu.vector_load %get3A_706[%get3A_707, %get3A_708] {strides = array<i32>} : memref<200x128xi32, #tpu.memory_space<vmem>>, vector<16xi32>,
        %add3A_710 = arith.constant 3 : i32
        %add3A_711 = arith.addi %mul3A_684, %add3A_710 : i32
        %get3A_712 = arith.constant 0 : i32
        %get3A_713 = arith.constant 0 : i32
        %get3A_714 = tpu.memref_slice %arg5[%scan3A_421, %get3A_712, %get3A_713] : memref<2x200x128xi32, #tpu.memory_space<vmem>> -> memref<1x200x128xi32, #tpu.memory_space<vmem>>
        %get3A_715 = tpu.memref_squeeze %get3A_714 : memref<1x200x128xi32, #tpu.memory_space<vmem>> -> memref<200x128xi32, #tpu.memory_space<vmem>>
        %get3A_716 = arith.index_cast %add3A_711 : i32 to index
        %get3A_717 = arith.index_cast %mul3A_452 : i32 to index
        %get3A_718 = tpu.vector_load %get3A_715[%get3A_716, %get3A_717] {strides = array<i32>} : memref<200x128xi32, #tpu.memory_space<vmem>>, vector<16xi32>,
        %mul3A_719 = arith.constant 7 : i32
        %mul3A_720 = vector.broadcast %mul3A_719 : i32 to vector<16xi32>
        %mul3A_721 = arith.muli %get3A_691, %mul3A_720 : vector<16xi32>
        %add3A_722 = arith.addi %mul3A_721, %get3A_700 : vector<16xi32>
        %mul3A_723 = arith.constant 7 : i32
        %mul3A_724 = vector.broadcast %mul3A_723 : i32 to vector<16xi32>
        %mul3A_725 = arith.muli %add3A_722, %mul3A_724 : vector<16xi32>
        %add3A_726 = arith.addi %mul3A_725, %get3A_709 : vector<16xi32>
        %mul3A_727 = arith.constant 7 : i32
        %mul3A_728 = vector.broadcast %mul3A_727 : i32 to vector<16xi32>
        %mul3A_729 = arith.muli %add3A_726, %mul3A_728 : vector<16xi32>
        %add3A_730 = arith.addi %mul3A_729, %get3A_718 : vector<16xi32>
        %gather3A_731 = tpu.vector_load_idx %arg8[%add3A_730] : memref<2416xf32, #tpu.memory_space<vmem>>[vector<16xi32>], vector<16xf32>,
        %add3A_732 = arith.addf %add3A_680, %gather3A_731 : vector<16xf32>
        scf.yield %add3A_732 : vector<16xf32>
      }
      %scan3A_460 = arith.constant 50 : i32
      %add3A_461 = arith.addf %scan3A_459, %gather3A_50 : vector<16xf32>
      %neg3A = arith.constant 0.000000e+00 : f32
      %neg3A_462 = vector.broadcast %neg3A : f32 to vector<16xf32>
      %neg3A_463 = arith.subf %neg3A_462, %add3A_461 : vector<16xf32>
      %exp3A = math.exp %neg3A_463 : vector<16xf32>
      %add3A_464 = arith.constant 1.000000e+00 : f32
      %add3A_465 = vector.broadcast %add3A_464 : f32 to vector<16xf32>
      %add3A_466 = arith.addf %add3A_465, %exp3A : vector<16xf32>
      %div3A_467 = arith.constant 1.000000e+00 : f32
      %div3A_468 = vector.broadcast %div3A_467 : f32 to vector<16xf32>
      %div3A_469 = arith.divf %div3A_468, %add3A_466 : vector<16xf32>
      %add3A_470 = arith.constant 256 : i32
      %add3A_471 = arith.addi %add3A_470, %mul3A_452 : i32
      %swap3A_472 = arith.index_cast %add3A_471 : i32 to index
      %swap3A_473 = tpu.vector_load %arg9[%swap3A_472] {strides = array<i32>} : memref<512xf32, #tpu.memory_space<vmem>>, vector<16xf32>,
      tpu.vector_store %arg9[%swap3A_472], %div3A_469 {strides = array<i32>} : memref<512xf32, #tpu.memory_space<vmem>>, vector<16xf32>,
    }
    %scan3A_426 = arith.constant 8 : i32
    %dma_wait3A_427 = arith.constant 1 : i32
    %dma_wait3A_428 = arith.constant 1 : i32
    %dma_wait3A_429 = arith.constant 0 : i32
    %dma_wait3A_430 = arith.constant 0 : i32
    %dma_wait3A_431 = tpu.memref_slice %arg5[%dma_wait3A_427, %dma_wait3A_429, %dma_wait3A_430] : memref<2x200x128xi32, #tpu.memory_space<vmem>> -> memref<1x200x128xi32, #tpu.memory_space<vmem>>
    %dma_wait3A_432 = tpu.memref_squeeze %dma_wait3A_431 : memref<1x200x128xi32, #tpu.memory_space<vmem>> -> memref<200x128xi32, #tpu.memory_space<vmem>>
    %dma_wait3A_433 = arith.constant 0 : i32
    %dma_wait3A_434 = tpu.memref_slice %arg2[%dma_wait3A_433, %add3A_387] : memref<200x16384xi32, #tpu.memory_space<hbm>> -> memref<200x128xi32, #tpu.memory_space<hbm>>
    %dma_wait3A_435 = tpu.memref_slice %arg11[%dma_wait3A_428] : memref<2x!tpu.dma_semaphore, #tpu.memory_space<semaphore_mem>> -> memref<1x!tpu.dma_semaphore, #tpu.memory_space<semaphore_mem>>
    %dma_wait3A_436 = tpu.memref_squeeze %dma_wait3A_435 : memref<1x!tpu.dma_semaphore, #tpu.memory_space<semaphore_mem>> -> memref<!tpu.dma_semaphore, #tpu.memory_space<semaphore_mem>>
    %dma_wait3A_437 = arith.constant 0 : i32
    %dma_wait3A_438 = arith.constant 0 : i32
    %dma_wait3A_439 = tpu.memref_slice %arg5[%dma_wait3A_427, %dma_wait3A_437, %dma_wait3A_438] : memref<2x200x128xi32, #tpu.memory_space<vmem>> -> memref<1x200x128xi32, #tpu.memory_space<vmem>>
    %dma_wait3A_440 = tpu.memref_squeeze %dma_wait3A_439 : memref<1x200x128xi32, #tpu.memory_space<vmem>> -> memref<200x128xi32, #tpu.memory_space<vmem>>
    %dma_wait3A_441 = arith.constant 0 : i32
    %dma_wait3A_442 = tpu.memref_slice %arg2[%dma_wait3A_441, %add3A_387] : memref<200x16384xi32, #tpu.memory_space<hbm>> -> memref<200x128xi32, #tpu.memory_space<hbm>>
    tpu.wait_dma2 semaphore(%dma_wait3A_436 : memref<!tpu.dma_semaphore, #tpu.memory_space<semaphore_mem>>) src(%dma_wait3A_442 : memref<200x128xi32, #tpu.memory_space<hbm>>) dst(%dma_wait3A_440 : memref<200x128xi32, #tpu.memory_space<vmem>>)
    %scan3A_443 = arith.constant 0 : i32
    %scan3A_444 = arith.constant 1 : i32
    %scan3A_445 = arith.constant 0 : i32
    %scan3A_446 = arith.constant 8 : i32
    %scan3A_447 = arith.addi %scan3A_445, %scan3A_446 : i32
    %scan3A_448 = arith.constant 1 : i32
    scf.for %scan3A_450 = %scan3A_445 to %scan3A_447 step %scan3A_448  : i32 {
      %mul3A_451 = arith.constant 16 : i32
      %mul3A_452 = arith.muli %scan3A_450, %mul3A_451 : i32
      %broadcast_in_dim3A_453 = arith.constant 0.000000e+00 : f32
      %broadcast_in_dim3A_454 = vector.broadcast %broadcast_in_dim3A_453 : f32 to vector<16xf32>
      %scan3A_455 = arith.constant 0 : i32
      %scan3A_456 = arith.constant 50 : i32
      %scan3A_457 = arith.addi %scan3A_455, %scan3A_456 : i32
      %scan3A_458 = arith.constant 5 : i32
      %scan3A_459 = scf.for %scan3A_474 = %scan3A_455 to %scan3A_457 step %scan3A_458 iter_args(%scan3A_475 = %broadcast_in_dim3A_454) -> (vector<16xf32>)  : i32 {
        %mul3A_476 = arith.constant 4 : i32
        %mul3A_477 = arith.muli %scan3A_474, %mul3A_476 : i32
        %get3A = arith.constant 0 : i32
        %get3A_478 = arith.constant 0 : i32
        %get3A_479 = tpu.memref_slice %arg5[%scan3A_444, %get3A, %get3A_478] : memref<2x200x128xi32, #tpu.memory_space<vmem>> -> memref<1x200x128xi32, #tpu.memory_space<vmem>>
        %get3A_480 = tpu.memref_squeeze %get3A_479 : memref<1x200x128xi32, #tpu.memory_space<vmem>> -> memref<200x128xi32, #tpu.memory_space<vmem>>
        %get3A_481 = arith.index_cast %mul3A_477 : i32 to index
        %get3A_482 = arith.index_cast %mul3A_452 : i32 to index
        %get3A_483 = tpu.vector_load %get3A_480[%get3A_481, %get3A_482] {strides = array<i32>} : memref<200x128xi32, #tpu.memory_space<vmem>>, vector<16xi32>,
        %add3A_484 = arith.constant 1 : i32
        %add3A_485 = arith.addi %mul3A_477, %add3A_484 : i32
        %get3A_486 = arith.constant 0 : i32
        %get3A_487 = arith.constant 0 : i32
        %get3A_488 = tpu.memref_slice %arg5[%scan3A_444, %get3A_486, %get3A_487] : memref<2x200x128xi32, #tpu.memory_space<vmem>> -> memref<1x200x128xi32, #tpu.memory_space<vmem>>
        %get3A_489 = tpu.memref_squeeze %get3A_488 : memref<1x200x128xi32, #tpu.memory_space<vmem>> -> memref<200x128xi32, #tpu.memory_space<vmem>>
        %get3A_490 = arith.index_cast %add3A_485 : i32 to index
        %get3A_491 = arith.index_cast %mul3A_452 : i32 to index
        %get3A_492 = tpu.vector_load %get3A_489[%get3A_490, %get3A_491] {strides = array<i32>} : memref<200x128xi32, #tpu.memory_space<vmem>>, vector<16xi32>,
        %add3A_493 = arith.constant 2 : i32
        %add3A_494 = arith.addi %mul3A_477, %add3A_493 : i32
        %get3A_495 = arith.constant 0 : i32
        %get3A_496 = arith.constant 0 : i32
        %get3A_497 = tpu.memref_slice %arg5[%scan3A_444, %get3A_495, %get3A_496] : memref<2x200x128xi32, #tpu.memory_space<vmem>> -> memref<1x200x128xi32, #tpu.memory_space<vmem>>
        %get3A_498 = tpu.memref_squeeze %get3A_497 : memref<1x200x128xi32, #tpu.memory_space<vmem>> -> memref<200x128xi32, #tpu.memory_space<vmem>>
        %get3A_499 = arith.index_cast %add3A_494 : i32 to index
        %get3A_500 = arith.index_cast %mul3A_452 : i32 to index
        %get3A_501 = tpu.vector_load %get3A_498[%get3A_499, %get3A_500] {strides = array<i32>} : memref<200x128xi32, #tpu.memory_space<vmem>>, vector<16xi32>,
        %add3A_502 = arith.constant 3 : i32
        %add3A_503 = arith.addi %mul3A_477, %add3A_502 : i32
        %get3A_504 = arith.constant 0 : i32
        %get3A_505 = arith.constant 0 : i32
        %get3A_506 = tpu.memref_slice %arg5[%scan3A_444, %get3A_504, %get3A_505] : memref<2x200x128xi32, #tpu.memory_space<vmem>> -> memref<1x200x128xi32, #tpu.memory_space<vmem>>
        %get3A_507 = tpu.memref_squeeze %get3A_506 : memref<1x200x128xi32, #tpu.memory_space<vmem>> -> memref<200x128xi32, #tpu.memory_space<vmem>>
        %get3A_508 = arith.index_cast %add3A_503 : i32 to index
        %get3A_509 = arith.index_cast %mul3A_452 : i32 to index
        %get3A_510 = tpu.vector_load %get3A_507[%get3A_508, %get3A_509] {strides = array<i32>} : memref<200x128xi32, #tpu.memory_space<vmem>>, vector<16xi32>,
        %mul3A_511 = arith.constant 7 : i32
        %mul3A_512 = vector.broadcast %mul3A_511 : i32 to vector<16xi32>
        %mul3A_513 = arith.muli %get3A_483, %mul3A_512 : vector<16xi32>
        %add3A_514 = arith.addi %mul3A_513, %get3A_492 : vector<16xi32>
        %mul3A_515 = arith.constant 7 : i32
        %mul3A_516 = vector.broadcast %mul3A_515 : i32 to vector<16xi32>
        %mul3A_517 = arith.muli %add3A_514, %mul3A_516 : vector<16xi32>
        %add3A_518 = arith.addi %mul3A_517, %get3A_501 : vector<16xi32>
        %mul3A_519 = arith.constant 7 : i32
        %mul3A_520 = vector.broadcast %mul3A_519 : i32 to vector<16xi32>
        %mul3A_521 = arith.muli %add3A_518, %mul3A_520 : vector<16xi32>
        %add3A_522 = arith.addi %mul3A_521, %get3A_510 : vector<16xi32>
        %gather3A_523 = tpu.vector_load_idx %arg8[%add3A_522] : memref<2416xf32, #tpu.memory_space<vmem>>[vector<16xi32>], vector<16xf32>,
        %add3A_524 = arith.addf %scan3A_475, %gather3A_523 : vector<16xf32>
        %scan3A_525 = arith.constant 1 : i32
        %scan3A_526 = arith.addi %scan3A_474, %scan3A_525 : i32
        %mul3A_527 = arith.constant 4 : i32
        %mul3A_528 = arith.muli %scan3A_526, %mul3A_527 : i32
        %get3A_529 = arith.constant 0 : i32
        %get3A_530 = arith.constant 0 : i32
        %get3A_531 = tpu.memref_slice %arg5[%scan3A_444, %get3A_529, %get3A_530] : memref<2x200x128xi32, #tpu.memory_space<vmem>> -> memref<1x200x128xi32, #tpu.memory_space<vmem>>
        %get3A_532 = tpu.memref_squeeze %get3A_531 : memref<1x200x128xi32, #tpu.memory_space<vmem>> -> memref<200x128xi32, #tpu.memory_space<vmem>>
        %get3A_533 = arith.index_cast %mul3A_528 : i32 to index
        %get3A_534 = arith.index_cast %mul3A_452 : i32 to index
        %get3A_535 = tpu.vector_load %get3A_532[%get3A_533, %get3A_534] {strides = array<i32>} : memref<200x128xi32, #tpu.memory_space<vmem>>, vector<16xi32>,
        %add3A_536 = arith.constant 1 : i32
        %add3A_537 = arith.addi %mul3A_528, %add3A_536 : i32
        %get3A_538 = arith.constant 0 : i32
        %get3A_539 = arith.constant 0 : i32
        %get3A_540 = tpu.memref_slice %arg5[%scan3A_444, %get3A_538, %get3A_539] : memref<2x200x128xi32, #tpu.memory_space<vmem>> -> memref<1x200x128xi32, #tpu.memory_space<vmem>>
        %get3A_541 = tpu.memref_squeeze %get3A_540 : memref<1x200x128xi32, #tpu.memory_space<vmem>> -> memref<200x128xi32, #tpu.memory_space<vmem>>
        %get3A_542 = arith.index_cast %add3A_537 : i32 to index
        %get3A_543 = arith.index_cast %mul3A_452 : i32 to index
        %get3A_544 = tpu.vector_load %get3A_541[%get3A_542, %get3A_543] {strides = array<i32>} : memref<200x128xi32, #tpu.memory_space<vmem>>, vector<16xi32>,
        %add3A_545 = arith.constant 2 : i32
        %add3A_546 = arith.addi %mul3A_528, %add3A_545 : i32
        %get3A_547 = arith.constant 0 : i32
        %get3A_548 = arith.constant 0 : i32
        %get3A_549 = tpu.memref_slice %arg5[%scan3A_444, %get3A_547, %get3A_548] : memref<2x200x128xi32, #tpu.memory_space<vmem>> -> memref<1x200x128xi32, #tpu.memory_space<vmem>>
        %get3A_550 = tpu.memref_squeeze %get3A_549 : memref<1x200x128xi32, #tpu.memory_space<vmem>> -> memref<200x128xi32, #tpu.memory_space<vmem>>
        %get3A_551 = arith.index_cast %add3A_546 : i32 to index
        %get3A_552 = arith.index_cast %mul3A_452 : i32 to index
        %get3A_553 = tpu.vector_load %get3A_550[%get3A_551, %get3A_552] {strides = array<i32>} : memref<200x128xi32, #tpu.memory_space<vmem>>, vector<16xi32>,
        %add3A_554 = arith.constant 3 : i32
        %add3A_555 = arith.addi %mul3A_528, %add3A_554 : i32
        %get3A_556 = arith.constant 0 : i32
        %get3A_557 = arith.constant 0 : i32
        %get3A_558 = tpu.memref_slice %arg5[%scan3A_444, %get3A_556, %get3A_557] : memref<2x200x128xi32, #tpu.memory_space<vmem>> -> memref<1x200x128xi32, #tpu.memory_space<vmem>>
        %get3A_559 = tpu.memref_squeeze %get3A_558 : memref<1x200x128xi32, #tpu.memory_space<vmem>> -> memref<200x128xi32, #tpu.memory_space<vmem>>
        %get3A_560 = arith.index_cast %add3A_555 : i32 to index
        %get3A_561 = arith.index_cast %mul3A_452 : i32 to index
        %get3A_562 = tpu.vector_load %get3A_559[%get3A_560, %get3A_561] {strides = array<i32>} : memref<200x128xi32, #tpu.memory_space<vmem>>, vector<16xi32>,
        %mul3A_563 = arith.constant 7 : i32
        %mul3A_564 = vector.broadcast %mul3A_563 : i32 to vector<16xi32>
        %mul3A_565 = arith.muli %get3A_535, %mul3A_564 : vector<16xi32>
        %add3A_566 = arith.addi %mul3A_565, %get3A_544 : vector<16xi32>
        %mul3A_567 = arith.constant 7 : i32
        %mul3A_568 = vector.broadcast %mul3A_567 : i32 to vector<16xi32>
        %mul3A_569 = arith.muli %add3A_566, %mul3A_568 : vector<16xi32>
        %add3A_570 = arith.addi %mul3A_569, %get3A_553 : vector<16xi32>
        %mul3A_571 = arith.constant 7 : i32
        %mul3A_572 = vector.broadcast %mul3A_571 : i32 to vector<16xi32>
        %mul3A_573 = arith.muli %add3A_570, %mul3A_572 : vector<16xi32>
        %add3A_574 = arith.addi %mul3A_573, %get3A_562 : vector<16xi32>
        %gather3A_575 = tpu.vector_load_idx %arg8[%add3A_574] : memref<2416xf32, #tpu.memory_space<vmem>>[vector<16xi32>], vector<16xf32>,
        %add3A_576 = arith.addf %add3A_524, %gather3A_575 : vector<16xf32>
        %scan3A_577 = arith.constant 2 : i32
        %scan3A_578 = arith.addi %scan3A_474, %scan3A_577 : i32
        %mul3A_579 = arith.constant 4 : i32
        %mul3A_580 = arith.muli %scan3A_578, %mul3A_579 : i32
        %get3A_581 = arith.constant 0 : i32
        %get3A_582 = arith.constant 0 : i32
        %get3A_583 = tpu.memref_slice %arg5[%scan3A_444, %get3A_581, %get3A_582] : memref<2x200x128xi32, #tpu.memory_space<vmem>> -> memref<1x200x128xi32, #tpu.memory_space<vmem>>
        %get3A_584 = tpu.memref_squeeze %get3A_583 : memref<1x200x128xi32, #tpu.memory_space<vmem>> -> memref<200x128xi32, #tpu.memory_space<vmem>>
        %get3A_585 = arith.index_cast %mul3A_580 : i32 to index
        %get3A_586 = arith.index_cast %mul3A_452 : i32 to index
        %get3A_587 = tpu.vector_load %get3A_584[%get3A_585, %get3A_586] {strides = array<i32>} : memref<200x128xi32, #tpu.memory_space<vmem>>, vector<16xi32>,
        %add3A_588 = arith.constant 1 : i32
        %add3A_589 = arith.addi %mul3A_580, %add3A_588 : i32
        %get3A_590 = arith.constant 0 : i32
        %get3A_591 = arith.constant 0 : i32
        %get3A_592 = tpu.memref_slice %arg5[%scan3A_444, %get3A_590, %get3A_591] : memref<2x200x128xi32, #tpu.memory_space<vmem>> -> memref<1x200x128xi32, #tpu.memory_space<vmem>>
        %get3A_593 = tpu.memref_squeeze %get3A_592 : memref<1x200x128xi32, #tpu.memory_space<vmem>> -> memref<200x128xi32, #tpu.memory_space<vmem>>
        %get3A_594 = arith.index_cast %add3A_589 : i32 to index
        %get3A_595 = arith.index_cast %mul3A_452 : i32 to index
        %get3A_596 = tpu.vector_load %get3A_593[%get3A_594, %get3A_595] {strides = array<i32>} : memref<200x128xi32, #tpu.memory_space<vmem>>, vector<16xi32>,
        %add3A_597 = arith.constant 2 : i32
        %add3A_598 = arith.addi %mul3A_580, %add3A_597 : i32
        %get3A_599 = arith.constant 0 : i32
        %get3A_600 = arith.constant 0 : i32
        %get3A_601 = tpu.memref_slice %arg5[%scan3A_444, %get3A_599, %get3A_600] : memref<2x200x128xi32, #tpu.memory_space<vmem>> -> memref<1x200x128xi32, #tpu.memory_space<vmem>>
        %get3A_602 = tpu.memref_squeeze %get3A_601 : memref<1x200x128xi32, #tpu.memory_space<vmem>> -> memref<200x128xi32, #tpu.memory_space<vmem>>
        %get3A_603 = arith.index_cast %add3A_598 : i32 to index
        %get3A_604 = arith.index_cast %mul3A_452 : i32 to index
        %get3A_605 = tpu.vector_load %get3A_602[%get3A_603, %get3A_604] {strides = array<i32>} : memref<200x128xi32, #tpu.memory_space<vmem>>, vector<16xi32>,
        %add3A_606 = arith.constant 3 : i32
        %add3A_607 = arith.addi %mul3A_580, %add3A_606 : i32
        %get3A_608 = arith.constant 0 : i32
        %get3A_609 = arith.constant 0 : i32
        %get3A_610 = tpu.memref_slice %arg5[%scan3A_444, %get3A_608, %get3A_609] : memref<2x200x128xi32, #tpu.memory_space<vmem>> -> memref<1x200x128xi32, #tpu.memory_space<vmem>>
        %get3A_611 = tpu.memref_squeeze %get3A_610 : memref<1x200x128xi32, #tpu.memory_space<vmem>> -> memref<200x128xi32, #tpu.memory_space<vmem>>
        %get3A_612 = arith.index_cast %add3A_607 : i32 to index
        %get3A_613 = arith.index_cast %mul3A_452 : i32 to index
        %get3A_614 = tpu.vector_load %get3A_611[%get3A_612, %get3A_613] {strides = array<i32>} : memref<200x128xi32, #tpu.memory_space<vmem>>, vector<16xi32>,
        %mul3A_615 = arith.constant 7 : i32
        %mul3A_616 = vector.broadcast %mul3A_615 : i32 to vector<16xi32>
        %mul3A_617 = arith.muli %get3A_587, %mul3A_616 : vector<16xi32>
        %add3A_618 = arith.addi %mul3A_617, %get3A_596 : vector<16xi32>
        %mul3A_619 = arith.constant 7 : i32
        %mul3A_620 = vector.broadcast %mul3A_619 : i32 to vector<16xi32>
        %mul3A_621 = arith.muli %add3A_618, %mul3A_620 : vector<16xi32>
        %add3A_622 = arith.addi %mul3A_621, %get3A_605 : vector<16xi32>
        %mul3A_623 = arith.constant 7 : i32
        %mul3A_624 = vector.broadcast %mul3A_623 : i32 to vector<16xi32>
        %mul3A_625 = arith.muli %add3A_622, %mul3A_624 : vector<16xi32>
        %add3A_626 = arith.addi %mul3A_625, %get3A_614 : vector<16xi32>
        %gather3A_627 = tpu.vector_load_idx %arg8[%add3A_626] : memref<2416xf32, #tpu.memory_space<vmem>>[vector<16xi32>], vector<16xf32>,
        %add3A_628 = arith.addf %add3A_576, %gather3A_627 : vector<16xf32>
        %scan3A_629 = arith.constant 3 : i32
        %scan3A_630 = arith.addi %scan3A_474, %scan3A_629 : i32
        %mul3A_631 = arith.constant 4 : i32
        %mul3A_632 = arith.muli %scan3A_630, %mul3A_631 : i32
        %get3A_633 = arith.constant 0 : i32
        %get3A_634 = arith.constant 0 : i32
        %get3A_635 = tpu.memref_slice %arg5[%scan3A_444, %get3A_633, %get3A_634] : memref<2x200x128xi32, #tpu.memory_space<vmem>> -> memref<1x200x128xi32, #tpu.memory_space<vmem>>
        %get3A_636 = tpu.memref_squeeze %get3A_635 : memref<1x200x128xi32, #tpu.memory_space<vmem>> -> memref<200x128xi32, #tpu.memory_space<vmem>>
        %get3A_637 = arith.index_cast %mul3A_632 : i32 to index
        %get3A_638 = arith.index_cast %mul3A_452 : i32 to index
        %get3A_639 = tpu.vector_load %get3A_636[%get3A_637, %get3A_638] {strides = array<i32>} : memref<200x128xi32, #tpu.memory_space<vmem>>, vector<16xi32>,
        %add3A_640 = arith.constant 1 : i32
        %add3A_641 = arith.addi %mul3A_632, %add3A_640 : i32
        %get3A_642 = arith.constant 0 : i32
        %get3A_643 = arith.constant 0 : i32
        %get3A_644 = tpu.memref_slice %arg5[%scan3A_444, %get3A_642, %get3A_643] : memref<2x200x128xi32, #tpu.memory_space<vmem>> -> memref<1x200x128xi32, #tpu.memory_space<vmem>>
        %get3A_645 = tpu.memref_squeeze %get3A_644 : memref<1x200x128xi32, #tpu.memory_space<vmem>> -> memref<200x128xi32, #tpu.memory_space<vmem>>
        %get3A_646 = arith.index_cast %add3A_641 : i32 to index
        %get3A_647 = arith.index_cast %mul3A_452 : i32 to index
        %get3A_648 = tpu.vector_load %get3A_645[%get3A_646, %get3A_647] {strides = array<i32>} : memref<200x128xi32, #tpu.memory_space<vmem>>, vector<16xi32>,
        %add3A_649 = arith.constant 2 : i32
        %add3A_650 = arith.addi %mul3A_632, %add3A_649 : i32
        %get3A_651 = arith.constant 0 : i32
        %get3A_652 = arith.constant 0 : i32
        %get3A_653 = tpu.memref_slice %arg5[%scan3A_444, %get3A_651, %get3A_652] : memref<2x200x128xi32, #tpu.memory_space<vmem>> -> memref<1x200x128xi32, #tpu.memory_space<vmem>>
        %get3A_654 = tpu.memref_squeeze %get3A_653 : memref<1x200x128xi32, #tpu.memory_space<vmem>> -> memref<200x128xi32, #tpu.memory_space<vmem>>
        %get3A_655 = arith.index_cast %add3A_650 : i32 to index
        %get3A_656 = arith.index_cast %mul3A_452 : i32 to index
        %get3A_657 = tpu.vector_load %get3A_654[%get3A_655, %get3A_656] {strides = array<i32>} : memref<200x128xi32, #tpu.memory_space<vmem>>, vector<16xi32>,
        %add3A_658 = arith.constant 3 : i32
        %add3A_659 = arith.addi %mul3A_632, %add3A_658 : i32
        %get3A_660 = arith.constant 0 : i32
        %get3A_661 = arith.constant 0 : i32
        %get3A_662 = tpu.memref_slice %arg5[%scan3A_444, %get3A_660, %get3A_661] : memref<2x200x128xi32, #tpu.memory_space<vmem>> -> memref<1x200x128xi32, #tpu.memory_space<vmem>>
        %get3A_663 = tpu.memref_squeeze %get3A_662 : memref<1x200x128xi32, #tpu.memory_space<vmem>> -> memref<200x128xi32, #tpu.memory_space<vmem>>
        %get3A_664 = arith.index_cast %add3A_659 : i32 to index
        %get3A_665 = arith.index_cast %mul3A_452 : i32 to index
        %get3A_666 = tpu.vector_load %get3A_663[%get3A_664, %get3A_665] {strides = array<i32>} : memref<200x128xi32, #tpu.memory_space<vmem>>, vector<16xi32>,
        %mul3A_667 = arith.constant 7 : i32
        %mul3A_668 = vector.broadcast %mul3A_667 : i32 to vector<16xi32>
        %mul3A_669 = arith.muli %get3A_639, %mul3A_668 : vector<16xi32>
        %add3A_670 = arith.addi %mul3A_669, %get3A_648 : vector<16xi32>
        %mul3A_671 = arith.constant 7 : i32
        %mul3A_672 = vector.broadcast %mul3A_671 : i32 to vector<16xi32>
        %mul3A_673 = arith.muli %add3A_670, %mul3A_672 : vector<16xi32>
        %add3A_674 = arith.addi %mul3A_673, %get3A_657 : vector<16xi32>
        %mul3A_675 = arith.constant 7 : i32
        %mul3A_676 = vector.broadcast %mul3A_675 : i32 to vector<16xi32>
        %mul3A_677 = arith.muli %add3A_674, %mul3A_676 : vector<16xi32>
        %add3A_678 = arith.addi %mul3A_677, %get3A_666 : vector<16xi32>
        %gather3A_679 = tpu.vector_load_idx %arg8[%add3A_678] : memref<2416xf32, #tpu.memory_space<vmem>>[vector<16xi32>], vector<16xf32>,
        %add3A_680 = arith.addf %add3A_628, %gather3A_679 : vector<16xf32>
        %scan3A_681 = arith.constant 4 : i32
        %scan3A_682 = arith.addi %scan3A_474, %scan3A_681 : i32
        %mul3A_683 = arith.constant 4 : i32
        %mul3A_684 = arith.muli %scan3A_682, %mul3A_683 : i32
        %get3A_685 = arith.constant 0 : i32
        %get3A_686 = arith.constant 0 : i32
        %get3A_687 = tpu.memref_slice %arg5[%scan3A_444, %get3A_685, %get3A_686] : memref<2x200x128xi32, #tpu.memory_space<vmem>> -> memref<1x200x128xi32, #tpu.memory_space<vmem>>
        %get3A_688 = tpu.memref_squeeze %get3A_687 : memref<1x200x128xi32, #tpu.memory_space<vmem>> -> memref<200x128xi32, #tpu.memory_space<vmem>>
        %get3A_689 = arith.index_cast %mul3A_684 : i32 to index
        %get3A_690 = arith.index_cast %mul3A_452 : i32 to index
        %get3A_691 = tpu.vector_load %get3A_688[%get3A_689, %get3A_690] {strides = array<i32>} : memref<200x128xi32, #tpu.memory_space<vmem>>, vector<16xi32>,
        %add3A_692 = arith.constant 1 : i32
        %add3A_693 = arith.addi %mul3A_684, %add3A_692 : i32
        %get3A_694 = arith.constant 0 : i32
        %get3A_695 = arith.constant 0 : i32
        %get3A_696 = tpu.memref_slice %arg5[%scan3A_444, %get3A_694, %get3A_695] : memref<2x200x128xi32, #tpu.memory_space<vmem>> -> memref<1x200x128xi32, #tpu.memory_space<vmem>>
        %get3A_697 = tpu.memref_squeeze %get3A_696 : memref<1x200x128xi32, #tpu.memory_space<vmem>> -> memref<200x128xi32, #tpu.memory_space<vmem>>
        %get3A_698 = arith.index_cast %add3A_693 : i32 to index
        %get3A_699 = arith.index_cast %mul3A_452 : i32 to index
        %get3A_700 = tpu.vector_load %get3A_697[%get3A_698, %get3A_699] {strides = array<i32>} : memref<200x128xi32, #tpu.memory_space<vmem>>, vector<16xi32>,
        %add3A_701 = arith.constant 2 : i32
        %add3A_702 = arith.addi %mul3A_684, %add3A_701 : i32
        %get3A_703 = arith.constant 0 : i32
        %get3A_704 = arith.constant 0 : i32
        %get3A_705 = tpu.memref_slice %arg5[%scan3A_444, %get3A_703, %get3A_704] : memref<2x200x128xi32, #tpu.memory_space<vmem>> -> memref<1x200x128xi32, #tpu.memory_space<vmem>>
        %get3A_706 = tpu.memref_squeeze %get3A_705 : memref<1x200x128xi32, #tpu.memory_space<vmem>> -> memref<200x128xi32, #tpu.memory_space<vmem>>
        %get3A_707 = arith.index_cast %add3A_702 : i32 to index
        %get3A_708 = arith.index_cast %mul3A_452 : i32 to index
        %get3A_709 = tpu.vector_load %get3A_706[%get3A_707, %get3A_708] {strides = array<i32>} : memref<200x128xi32, #tpu.memory_space<vmem>>, vector<16xi32>,
        %add3A_710 = arith.constant 3 : i32
        %add3A_711 = arith.addi %mul3A_684, %add3A_710 : i32
        %get3A_712 = arith.constant 0 : i32
        %get3A_713 = arith.constant 0 : i32
        %get3A_714 = tpu.memref_slice %arg5[%scan3A_444, %get3A_712, %get3A_713] : memref<2x200x128xi32, #tpu.memory_space<vmem>> -> memref<1x200x128xi32, #tpu.memory_space<vmem>>
        %get3A_715 = tpu.memref_squeeze %get3A_714 : memref<1x200x128xi32, #tpu.memory_space<vmem>> -> memref<200x128xi32, #tpu.memory_space<vmem>>
        %get3A_716 = arith.index_cast %add3A_711 : i32 to index
        %get3A_717 = arith.index_cast %mul3A_452 : i32 to index
        %get3A_718 = tpu.vector_load %get3A_715[%get3A_716, %get3A_717] {strides = array<i32>} : memref<200x128xi32, #tpu.memory_space<vmem>>, vector<16xi32>,
        %mul3A_719 = arith.constant 7 : i32
        %mul3A_720 = vector.broadcast %mul3A_719 : i32 to vector<16xi32>
        %mul3A_721 = arith.muli %get3A_691, %mul3A_720 : vector<16xi32>
        %add3A_722 = arith.addi %mul3A_721, %get3A_700 : vector<16xi32>
        %mul3A_723 = arith.constant 7 : i32
        %mul3A_724 = vector.broadcast %mul3A_723 : i32 to vector<16xi32>
        %mul3A_725 = arith.muli %add3A_722, %mul3A_724 : vector<16xi32>
        %add3A_726 = arith.addi %mul3A_725, %get3A_709 : vector<16xi32>
        %mul3A_727 = arith.constant 7 : i32
        %mul3A_728 = vector.broadcast %mul3A_727 : i32 to vector<16xi32>
        %mul3A_729 = arith.muli %add3A_726, %mul3A_728 : vector<16xi32>
        %add3A_730 = arith.addi %mul3A_729, %get3A_718 : vector<16xi32>
        %gather3A_731 = tpu.vector_load_idx %arg8[%add3A_730] : memref<2416xf32, #tpu.memory_space<vmem>>[vector<16xi32>], vector<16xf32>,
        %add3A_732 = arith.addf %add3A_680, %gather3A_731 : vector<16xf32>
        scf.yield %add3A_732 : vector<16xf32>
      }
      %scan3A_460 = arith.constant 50 : i32
      %add3A_461 = arith.addf %scan3A_459, %gather3A_50 : vector<16xf32>
      %neg3A = arith.constant 0.000000e+00 : f32
      %neg3A_462 = vector.broadcast %neg3A : f32 to vector<16xf32>
      %neg3A_463 = arith.subf %neg3A_462, %add3A_461 : vector<16xf32>
      %exp3A = math.exp %neg3A_463 : vector<16xf32>
      %add3A_464 = arith.constant 1.000000e+00 : f32
      %add3A_465 = vector.broadcast %add3A_464 : f32 to vector<16xf32>
      %add3A_466 = arith.addf %add3A_465, %exp3A : vector<16xf32>
      %div3A_467 = arith.constant 1.000000e+00 : f32
      %div3A_468 = vector.broadcast %div3A_467 : f32 to vector<16xf32>
      %div3A_469 = arith.divf %div3A_468, %add3A_466 : vector<16xf32>
      %add3A_470 = arith.constant 384 : i32
      %add3A_471 = arith.addi %add3A_470, %mul3A_452 : i32
      %swap3A_472 = arith.index_cast %add3A_471 : i32 to index
      %swap3A_473 = tpu.vector_load %arg9[%swap3A_472] {strides = array<i32>} : memref<512xf32, #tpu.memory_space<vmem>>, vector<16xf32>,
      tpu.vector_store %arg9[%swap3A_472], %div3A_469 {strides = array<i32>} : memref<512xf32, #tpu.memory_space<vmem>>, vector<16xf32>,
    }
    %scan3A_449 = arith.constant 8 : i32
    "tpu.region"() ({
      %run_scoped3A = tpu.sem_alloc : memref<!tpu.dma_semaphore, #tpu.memory_space<semaphore_mem>>
      %dma_start3A_450 = tpu.memref_slice %arg4[%mul3A_2] : memref<16384xf32, #tpu.memory_space<hbm>> -> memref<512xf32, #tpu.memory_space<hbm>>
      %dma_start3A_451 = tpu.memref_slice %arg4[%mul3A_2] : memref<16384xf32, #tpu.memory_space<hbm>> -> memref<512xf32, #tpu.memory_space<hbm>>
      tpu.enqueue_dma source(%arg9 : memref<512xf32, #tpu.memory_space<vmem>>) target(%dma_start3A_451 : memref<512xf32, #tpu.memory_space<hbm>>) target_semaphore(%run_scoped3A : memref<!tpu.dma_semaphore, #tpu.memory_space<semaphore_mem>>)
      %dma_wait3A_452 = tpu.memref_slice %arg4[%mul3A_2] : memref<16384xf32, #tpu.memory_space<hbm>> -> memref<512xf32, #tpu.memory_space<hbm>>
      %dma_wait3A_453 = tpu.memref_slice %arg4[%mul3A_2] : memref<16384xf32, #tpu.memory_space<hbm>> -> memref<512xf32, #tpu.memory_space<hbm>>
      tpu.wait_dma2 semaphore(%run_scoped3A : memref<!tpu.dma_semaphore, #tpu.memory_space<semaphore_mem>>) src(%arg9 : memref<512xf32, #tpu.memory_space<vmem>>) dst(%dma_wait3A_453 : memref<512xf32, #tpu.memory_space<hbm>>)
      tpu.yield
    }) : () -> ()
    return
  }
}

</mosaic_0001>

<sc_bundles>
// kernel: kernel.3.cloned.1.call-start
scs
__scs_entry_jumppad:
0x0: {  	(pc) =	sbr.rel $0x88, $3  }
0x1: {  	(tag) =	ssettag $0x0;
	lr =	simm.s32 $0x1  }
0x2: {  	[smem:$0x3F9D] =	sst lr;
	_ =	strace $0xD0000000  }
0x3: {  	_ = 	snop  }
0x4: {  	_ = 	snop  }
0x5: {  	_ = 	snop  }
0x6: {  	_ = 	snop  }
0x7: {  	_ = 	snop  }
__scs_overlays_trampoline_lowered:
0x8: {  	[smem:$0x3FAC] =	sst s0  }
0x9: {  	[smem:$0x3FAD] =	sst s1  }
0xa: {  	[smem:$0x3FAE] =	sst s2  }
0xb: {  	[smem:$0x3FAF] =	sst s3  }
0xc: {  	[smem:$0x3FB0] =	sst s4  }
0xd: {  	[smem:$0x3FB1] =	sst s5  }
0xe: {  	[smem:$0x3FB2] =	sst s6  }
0xf: {  	[smem:$0x3FB3] =	sst s7  }
0x10: {  	[smem:$0x3FB4] =	sst s8  }
0x11: {  	[smem:$0x3FB5] =	sst s9;
	s0 =	simm.s32 @!p0 $0x0  }
0x12: {  	s1 =	sld [smem:$0x3F9B];
	s0 =	simm.s32 @p0 $0x1  }
0x13: {  	[smem:$0x3FB6] =	sst s0;
	s0 =	simm.s32 @!p1 $0x0  }
0x14: {  	s2 =	sld [smem:$0x3F9A];
	s0 =	simm.s32 @p1 $0x1  }
0x15: {  	[smem:$0x3FB7] =	sst s0;
	s0 =	simm.s32 @!p2 $0x0  }
0x16: {  	s3 =	sld [smem:$0x3FDB];
	s0 =	simm.s32 @p2 $0x1  }
0x17: {  	s4 =	simm.s32 $0x1BF5;
	[smem:$0x3FB9] =	sst s0  }
0x18: {  	s0 =	sld [smem:$0x3F9C];
	_ =	swait.ge [sflag:s4], $0x0  }
0x19: {  	s7 =	sld [smem:$0x3F9D]  }
0x1a: {  	s8 =	sadd.s32 $0xFFFFE003, lr  }
0x1b: {  	s9 =	sadd.s32 $0xFFFFFEF7, lr;
	s5 =	simm.s32 $0xFFFFFFFF;
	p2 =	slt.u32 s8, $0xFFFFF086  }
0x1c: {  	p1 =	slt.u32 s9, $0xF7A;
	s5 =	simm.s32 @!p2 $0x0  }
0x1d: {  	s5 =	simm.s32 @p1 $0x1;
	p0 =	seq.s32 s7, s2  }
0x1e: {  	s7 =	smul.u32 @!p0 $0xF7A, s2;
	p2 =	seq.s32 @!p0 s5, $0x0  }
0x1f: {  	s9 =	smul.u32 $0xF7A, s1;
	s8 =	simm.s32 @!p0 $0x1BF5;
	p2 =	por !p2, p0  }
0x20: {  	[sflag:s8] =	ssyncset.s32 @!p0 $0xFFFFF086;
	s6 =	sadd.s32 @!p0 s3, s7;
	s7 =	simm.s32 @!p0 $0x108  }
0x21: {  	s3 =	sadd.s32 s3, s9;
	s6 =	sadd.s32 @!p0 $0x88, s6;
	s7 =	simm.s32 @p2 $0x1082  }
0x22: {  	[simem:s7], [sflag:s8] =	dma.local @!p0 [hbm:s6], $0xF7A  }
0x23: {  	s9 =	sor.u32 $0xD0000000, s2;
	s6 =	simm.s32 $0x108;
	_ =	swait.ge @!p0 [sflag:s8], $0x0  }
0x24: {  	s3 =	sadd.s32 $0x88, s3;
	s6 =	simm.s32 @!p1 $0x1082;
	[sflag:s4] =	ssyncset.s32 $0xFFFFF086  }
0x25: {  	[simem:s6], [sflag:s4] =	dma.local [hbm:s3], $0xF7A  }
0x26: {  	[smem:$0x3F9D] =	sst s1;
	(tag) =	ssettag s2;
	_ =	strace s9  }
0x27: {  	s1 =	sld [smem:$0x3FAD]  }
0x28: {  	s2 =	sld [smem:$0x3FAE]  }
0x29: {  	s4 =	sld [smem:$0x3FB0]  }
0x2a: {  	p0 =	seq.s32 s5, $0x0;
	s5 =	sld [smem:$0x3FB1]  }
0x2b: {  	s6 =	sld [smem:$0x3FB2]  }
0x2c: {  	s7 =	sld [smem:$0x3FB3]  }
0x2d: {  	s3 =	simm.s32 $0x108;
	s8 =	sld [smem:$0x3FB4]  }
0x2e: {  	s3 =	simm.s32 @!p0 $0x1082;
	s9 =	sld [smem:$0x3FB5]  }
0x2f: {  	lr =	sadd.s32 s0, s3;
	s0 =	sld [smem:$0x3FAC]  }
0x30: {  	s3 =	sld [smem:$0x3FAF]  }
0x31: {  	[smem:$0x3FB8] =	sst s10  }
0x32: {  	s10 =	sld [smem:$0x3FB6];
	_ =	sdelay $0x3  }
0x33: {  	p0 =	seq.s32 s10, $0x1;
	s10 =	sld [smem:$0x3FB8];
	_ =	sdelay $0x3  }
0x34: {  	[smem:$0x3FB8] =	sst s10  }
0x35: {  	s10 =	sld [smem:$0x3FB7];
	_ =	sdelay $0x3  }
0x36: {  	p1 =	seq.s32 s10, $0x1;
	s10 =	sld [smem:$0x3FB8];
	_ =	sdelay $0x3  }
0x37: {  	[smem:$0x3FB8] =	sst s10  }
0x38: {  	s10 =	sld [smem:$0x3FB9]  }
0x39: {  	_ = 	snop;
	(pc) =	sbr.ind lr, $3  }
0x3a: {  	_ = 	snop  }
0x3b: {  	_ = 	snop  }
0x3c: {  	p2 =	seq.s32 s10, $0x1;
	s10 =	sld [smem:$0x3FB8]  }
0x3d: {  	_ =	shalt  }
0x3e: {  	_ =	shalt  }
0x3f: {  	_ =	shalt  }
0x40: {  	_ =	shalt  }
0x41: {  	_ =	shalt  }
0x42: {  	_ =	shalt  }
0x43: {  	_ =	shalt  }
0x44: {  	_ =	shalt  }
0x45: {  	_ =	shalt  }
0x46: {  	_ =	shalt  }
0x47: {  	_ =	shalt  }
0x48: {  	_ =	shalt  }
0x49: {  	_ =	shalt  }
0x4a: {  	_ =	shalt  }
0x4b: {  	_ =	shalt  }
0x4c: {  	_ =	shalt  }
0x4d: {  	_ =	shalt  }
0x4e: {  	_ =	shalt  }
0x4f: {  	_ =	shalt  }
0x50: {  	_ =	shalt  }
0x51: {  	_ =	shalt  }
0x52: {  	_ =	shalt  }
0x53: {  	_ =	shalt  }
0x54: {  	_ =	shalt  }
0x55: {  	_ =	shalt  }
0x56: {  	_ =	shalt  }
0x57: {  	_ =	shalt  }
0x58: {  	_ =	shalt  }
0x59: {  	_ =	shalt  }
0x5a: {  	_ =	shalt  }
0x5b: {  	_ =	shalt  }
0x5c: {  	_ =	shalt  }
0x5d: {  	_ =	shalt  }
0x5e: {  	_ =	shalt  }
0x5f: {  	_ =	shalt  }
0x60: {  	_ =	shalt  }
0x61: {  	_ =	shalt  }
0x62: {  	_ =	shalt  }
0x63: {  	_ =	shalt  }
0x64: {  	_ =	shalt  }
0x65: {  	_ =	shalt  }
0x66: {  	_ =	shalt  }
0x67: {  	_ =	shalt  }
0x68: {  	_ =	shalt  }
0x69: {  	_ =	shalt  }
0x6a: {  	_ =	shalt  }
0x6b: {  	_ =	shalt  }
0x6c: {  	_ =	shalt  }
0x6d: {  	_ =	shalt  }
0x6e: {  	_ =	shalt  }
0x6f: {  	_ =	shalt  }
0x70: {  	_ =	shalt  }
0x71: {  	_ =	shalt  }
0x72: {  	_ =	shalt  }
0x73: {  	_ =	shalt  }
0x74: {  	_ =	shalt  }
0x75: {  	_ =	shalt  }
0x76: {  	_ =	shalt  }
0x77: {  	_ =	shalt  }
0x78: {  	_ =	shalt  }
0x79: {  	_ =	shalt  }
0x7a: {  	_ =	shalt  }
0x7b: {  	_ =	shalt  }
0x7c: {  	_ =	shalt  }
0x7d: {  	_ =	shalt  }
0x7e: {  	_ =	shalt  }
0x7f: {  	_ =	shalt  }
0x80: {  	_ =	shalt  }
0x81: {  	_ =	shalt  }
0x82: {  	_ =	shalt  }
0x83: {  	_ =	shalt  }
0x84: {  	_ =	shalt  }
0x85: {  	_ =	shalt  }
0x86: {  	_ =	shalt  }
0x87: {  	_ =	shalt  }
.Lfunc_end0:
.L_simem_size_0:
called_computation_lowered:
.L_overlay_start_0:
0x88: {  	s2 =	sld [smem:$0x3FD9]  }
0x89: {  	s3 =	sld [smem:$0x3FFE];
	_ =	sdelay $0x1  }
0x8a: {  	s1 =	srdreg.scid  }
0x8b: {  	s0 =	sand.u32 $0x1, s1  }
0x8c: {  	s17 =	sshll.u32 s0, $0xA;
	s2 =	sadd.s32 s3, s2  }
0x8d: {  	s2 =	sadd.s32 s2, s17  }
0x8e: {  	[smem:$0x3FC4] =	sst s2  }
0x8f: {  	_ = 	snop  }
0x90: {  	s2 =	sld [smem:$0x3FC9]  }
0x91: {  	s18 =	sld [smem:$0x3FD0];
	(tm) =	ssettm $0x1  }
0x92: {  	s4 =	sld [smem:$0x3FFB];
	_ =	sdelay $0x3  }
0x93: {  	_ =	strace s4  }
0x94: {  	s4 =	sld [smem:$0x3FFC];
	_ =	sdelay $0x3  }
0x95: {  	_ =	strace s4  }
0x96: {  	s4 =	sld [smem:$0x3FFD];
	_ =	sdelay $0x3  }
0x97: {  	_ =	strace s4  }
0x98: {  	_ =	strace $0x8FFFFFFF  }
0x99: {  	s19 =	sld [smem:$0x3FDB];
	_ =	sdelay $0x1  }
0x9a: {  	s5 =	simm.s32 $_scs_section_size  }
0x9b: {  	s6 =	simm.s32 $_size__tile_overlayer_lowered;
	s7 =	simm.s32 $_tile_overlayer_lowered  }
0x9c: {  	s22 =	simm.s32 $0x1BFF;
	s21 =	sshll.u32 s7, $0x1;
	s4 =	sadd.s32 s5, s19  }
0x9d: {  	s8 =	simm.s32 $0x0;
	s20 =	sshll.u32 s6, $0x1;
	s6 =	sadd.s32 s21, s4  }
0x9e: {  	[timem:s8], [sflag:s22] =	dma.local [hbm:s6], s20  }
0x9f: {  	_ =	swait.ge [sflag:s22], s20  }
0xa0: {  	s5 =	ssub.s32 $0x0, s20;
	[sflag:s22] =	ssyncset.done $0x0  }
0xa1: {  	[sflag:s22] =	ssyncadd.s32 s5;
	_ =	sdelay $0x1  }
0xa2: {  	s23 =	simm.s32 $0x1B8B  }
0xa3: {  	_ =	swait.ge [sflag:s23], $0x1  }
0xa4: {  	[sflag:s23] =	ssyncset.done $0x0  }
0xa5: {  	s25 =	simm.s32 $0x1B8E;
	s24 =	sld [smem:$0x3FFE];
	[sflag:s23] =	ssyncadd.s32 $0xFFFFFFFF  }
0xa6: {  	s26 =	simm.s32 $execute0_lowered;
	[smem:$0x3FD2] =	sst s25  }
0xa7: {  	s6 =	sshll.u32 s26, $0x1;
	_ =	strace $0x80000046;
	[dreg:$0x1] =	wrdreg $0xFFFFFFFF  }
0xa8: {  	s28 =	simm.s32 $_size_execute0_lowered;
	s4 =	sadd.s32 s4, s6;
	[dreg:$0x0] =	wrdreg $0x0  }
0xa9: {  	s6 =	sshll.u32 s28, $0x1;
	[dreg:$0x2] =	wrdreg s4  }
0xaa: {  	[dreg:$0x3] =	wrdreg s6  }
0xab: {  	[dreg:$0x4] =	wrdreg $0xC0  }
0xac: {  	_ =	task [dreg:s8], $0x5FFFF  }
0xad: {  	[dreg:$0x1] =	wrdreg $0xFFFFFFFF  }
0xae: {  	[dreg:$0x0] =	wrdreg $0x60  }
0xaf: {  	[dreg:$0x2] =	wrdreg s2  }
0xb0: {  	[dreg:$0x3] =	wrdreg s24  }
0xb1: {  	[dreg:$0x4] =	wrdreg s18  }
0xb2: {  	[dreg:$0x5] =	wrdreg $0x9  }
0xb3: {  	_ =	task.clear_ibuf [dreg:s8], $0x6FFFF;
	_ =	strace $0x90000046  }
0xb4: {  	s29 =	simm.s32 $0x9;
	_ =	strace $0x80000048  }
0xb5: {  	_ =	swait.ge [sflag:s29], $0x1  }
0xb6: {  	[sflag:s29] =	ssyncadd.s32 $0xFFFFFFFF  }
0xb7: {  	_ =	strace $0x90000048  }
0xb8: {  	_ =	sfence  }
0xb9: {  	s30 =	sld [smem:$0x0];
	_ =	sdelay $0x2  }
0xba: {  	s31 =	sshll.u32 s1, $0xD;
	s1 =	sshrl.u32 s1, $0x2  }
0xbb: {  	s3 =	sand.u32 $0x4000, s31;
	s1 =	sadd.s32 s1, s30  }
0xbc: {  	s0 =	sor.u32 s3, s0;
	s1 =	sshll.u32 s1, $0x11  }
0xbd: {  	s0 =	sor.u32 s1, s0  }
0xbe: {  	s0 =	sadd.s32 $0x8F2B, s0  }
0xbf: {  	[sflag:s0] =	ssyncadd.remote.s32 $0x1  }
0xc0: {  	_ =	sfence.sel $0xFFFF  }
0xc1: {  	[dreg:$0x0] =	wrdreg $0xFFFFFFFF;
	(pc) =	sbr.abs _section_cstart, $3  }
0xc2: {  	[dreg:$0x1] =	wrdreg $0xFFFFFFFF  }
0xc3: {  	_ =	task.clear_ibuf [dreg:s8], $0x2FFFF;
	_ =	strace $0x9FFFFFFF  }
0xc4: {  	(tm) =	ssettm $0x7FFFFFFF  }
0xc5: {  	_ =	shalt  }
tec
execute0_lowered:
.L_overlay_start_1:
0x0: {  	(tag) =	ssettag $0x1  }
0x1: {  	v0 =	vimm.s32 $0xC080400  }
0x2: {  	vm0 =	vcmask $0xF00;
	v1 =	vimm.s32 $0x18181410;
	v2 =	vimm.s32 $0xD090501  }
0x3: {  	v3 =	vimm.s32 $0x19191511;
	vm1 =	vcmask $0x1F10;
	v5 =	vimm.s32 $0xF0B0703  }
0x4: {  	vm2 =	vcmask $0x1B00;
	vm11 =	vcmask $0x371C;
	v9 =	vimm.s32 $0x4  }
0x5: {  	v10 =	vimm.s32 $0x32106543;
	v11 =	vimm.s32 $0x21065432;
	vm12 =	vcmask $0x1300  }
0x6: {  	vm13 =	vcmask $0x2F14;
	v12 =	vimm.s32 $0x54321065;
	v15 =	vimm.s32 $0x43210654  }
0x7: {  	vm14 =	vcmask $0x2710;
	v16 =	vimm.s32 $0x65432106;
	v2 =	vunpack.c.0.s8.s32 v2  }
0x8: {  	vm15 =	vcmask $0x3B20;
	v0 =	vunpack.c.0.s8.s32 v0;
	v3 =	vunpack.c.0.s8.s32 v3  }
0x9: {  	v1 =	vunpack.c.0.s8.s32 v1;
	v7 =	vunpack.c.0.s8.s32 v5;
	v2 =	vnsel vm0, $0x19, v2  }
0xa: {  	v5 =	vimm.s32 $0x1B1B1713;
	v2 =	vsel vm1, v3, v2;
	v3 =	vimm.s32 $0xE0A0602  }
0xb: {  	v10 =	vunpack.c.l.s4.s8 v10;
	v4 =	vunpack.c.0.s8.s32 v3;
	v3 =	vimm.s32 $0x1A1A1612  }
0xc: {  	v11 =	vunpack.c.l.s4.s8 v11;
	v12 =	vunpack.c.l.s4.s8 v12;
	v6 =	vunpack.c.0.s8.s32 v3  }
0xd: {  	v15 =	vunpack.c.l.s4.s8 v15;
	v8 =	vunpack.c.0.s8.s32 v5;
	v4 =	vnsel vm0, $0x1A, v4  }
0xe: {  	s4 =	rddreg [dreg:$0x0];
	v16 =	vunpack.c.l.s4.s8 v16;
	v4 =	vsel vm1, v6, v4;
	v6 =	vnsel vm0, $0x1B, v7  }
0xf: {  	s3 =	rddreg [dreg:$0x1];
	v5 =	vimm.s32 $0x1E;
	v6 =	vsel vm1, v8, v6;
	v8 =	vimm.s32 $0x10654321  }
0x10: {  	s8 =	rddreg [dreg:$0x2];
	v0 =	vnsel vm0, $0x18, v0;
	v13 =	vunpack.c.l.s4.s8 v8;
	v8 =	vimm.s32 $0x6543210  }
0x11: {  	s0 =	rddreg [dreg:$0x3];
	s1 =	simm.s32 $0x0;
	s5 =	srdreg.scid;
	v16 =	vunpack.c.0.s8.s32 v16;
	v14 =	vunpack.c.l.s4.s8 v8;
	v8 =	vsel vm12, $0x2, v9  }
0x12: {  	s2 =	stileid.u32;
	s11 =	simm.s32 $0x3;
	s12 =	simm.s32 $0xC800;
	v9 =	vunpack.c.0.s8.s32 v10;
	v10 =	vunpack.c.0.s8.s32 v11;
	v11 =	vimm.s32 $0x5040404  }
0x13: {  	s13 =	simm.s32 $0xC880;
	s14 =	simm.s32 $0x400;
	s15 =	simm.s32 $0x20000;
	v0 =	vsel vm1, v1, v0;
	v7 =	vimm.s32 $0x2;
	v11 =	vunpack.c.0.s8.s32 v11  }
0x14: {  	s16 =	simm.s32 $0x6400;
	s17 =	simm.s32 $0x1;
	s18 =	simm.s32 $0xC900;
	v1 =	vimm.s32 $0x1C;
	v7 =	vsel vm2, $0x0, v7;
	v17 =	vunpack.c.0.s8.s32 v13  }
0x15: {  	s19 =	simm.s32 $0x2;
	s20 =	simm.s32 $0xD280;
	s21 =	simm.s32 $0x0;
	v9 =	vcombine.low v10, v9;
	v18 =	vunpack.c.0.s8.s32 v14;
	v10 =	vnsel vm0, $0x6, v11  }
0x16: {  	[smem:$0x7FF] =	sst s1;
	s5 =	sand.u32 $0x1, s5;
	s7 =	sshll.u32 s2, $0xA;
	v11 =	vunpack.c.0.s8.s32 v12;
	v12 =	vunpack.c.0.s8.s32 v15;
	v15 =	vimm.s32 $0x7070706  }
0x17: {  	s3 =	sadd.s32 $0x400, s3;
	s6 =	ssub.s32 $0x2, s5;
	s5 =	sshll.u32 s5, $0x9;
	v3 =	vimm.s32 $0x1D;
	v7 =	vsel vm11, $0x1, v7;
	v15 =	vunpack.c.0.s8.s32 v15  }
0x18: {  	_ =	strace $0x80000047;
	s9 =	sshrl.u32 s6, $0x1;
	s7 =	sor.u32 s5, s7;
	v8 =	vsel vm13, $0x3, v8;
	v10 =	vsel vm14, $0x5, v10;
	v14 =	vcombine.low v18, v17  }
0x19: {  	s9 =	ssub.s32 s6, s9;
	s4 =	sadd.s32 s4, s7;
	s10 =	sshrl.u32 s7, $0x3;
	v16 =	vcombine.low v16, v18;
	v17 =	vlaneseq.u32;
	v13 =	vnsel vm0, $0x9, v15  }
0x1a: {  	s5 =	sadd.s32 $0x80, s4;
	s6 =	sadd.s32 $0x100, s4;
	s7 =	sadd.s32 $0x180, s4;
	v18 =	vimm.s32 $0x0;
	v11 =	vcombine.low v12, v11;
	v15 =	vsel vm1, $0x7, v13  }
0x1b: {  	s8 =	sadd.s32 s8, s10;
	s9 =	smax.u32 s9, $0x1;
	s10 =	simm.s32 $0xD480;
	v12 =	vimm.s32 $0x1F;
	v13 =	vimm.s32 $0x20;
	v15 =	vsel vm15, $0x8, v15  }
.LBB2_1:
0x1c: {  	[tilespmem:s10], [sflag:$0x3] =	stream.linear.gather [hbm4b:s3+s1], $0x80, $0x38;
	[tilespmem:$0xD500] =	vst v63  }
0x1d: {  	_ =	swait.ge [sflag:s11], $0x80  }
0x1e: {  	[sflag:s11] =	ssyncset.done $0x0  }
0x1f: {  	[sflag:s11] =	ssyncadd.s32 $0xFFFFFF80  }
0x20: {  	v19 =	vld.idx.msk [tilespmem:v0+s10+$0x0], $0xffff  }
0x21: {  	v20 =	vld.idx.msk [tilespmem:v1+s10+$0x0], $0xffff  }
0x22: {  	v21 =	vld.idx.msk [tilespmem:v2+s10+$0x0], $0xffff  }
0x23: {  	v22 =	vld.idx.msk [tilespmem:v3+s10+$0x0], $0xffff  }
0x24: {  	v23 =	vld.idx.msk [tilespmem:v4+s10+$0x0], $0xffff  }
0x25: {  	v24 =	vld.idx.msk [tilespmem:v5+s10+$0x0], $0xffff  }
0x26: {  	v25 =	vld.idx.msk [tilespmem:v12+s10+$0x0], $0xffff;
	v19 =	vmul.f32 v20, v19  }
0x27: {  	v20 =	vld.idx.msk [tilespmem:v6+s10+$0x0], $0xffff  }
0x28: {  	v21 =	vmul.f32 v22, v21;
	v19 =	vadd.f32 $0.0e+00, v19;
	_ =	sdelay $0x1  }
0x29: {  	v19 =	vadd.f32 v21, v19;
	v21 =	vmul.f32 v24, v23;
	_ =	sdelay $0x1  }
0x2a: {  	v20 =	vmul.f32 v25, v20;
	v19 =	vadd.f32 v21, v19;
	_ =	sdelay $0x1  }
0x2b: {  	v19 =	vadd.f32 v20, v19;
	_ =	sdelay $0x1  }
0x2c: {  	v19 =	vmul.f32 $4.999999890e-03, v19;
	_ =	sdelay $0x1  }
0x2d: {  	[tilespmem:$0xC800] =	vst v19  }
0x2e: {  	v19 =	vld.idx.msk [tilespmem:v7+s12+$0x0], $0xffff  }
0x2f: {  	v20 =	vld.idx.msk [tilespmem:v14+s12+$0x0], $0xffff;
	_ =	sdelay $0x4  }
0x30: {  	v20 =	vadd.f32 v20, v19;
	_ =	sdelay $0x1  }
0x31: {  	v19 =	vld.idx.msk [tilespmem:v13+s10+$0x0], $0xffff;
	[tilespmem:$0xC880] =	vst v20  }
0x32: {  	v20 =	vld.idx.msk [tilespmem:v8+s12+$0x0], $0xffff  }
0x33: {  	v21 =	vld.idx.msk [tilespmem:v9+s12+$0x0], $0xffff;
	_ =	sdelay $0x4  }
0x34: {  	v20 =	vadd.f32 v21, v20;
	_ =	sdelay $0x1  }
0x35: {  	[tilespmem:$0xC890] =	vst v20  }
0x36: {  	v20 =	vld.idx.msk [tilespmem:v10+s12+$0x0], $0xffff  }
0x37: {  	v21 =	vld.idx.msk [tilespmem:v11+s12+$0x0], $0xffff;
	_ =	sdelay $0x2  }
0x38: {  	v22 =	vor.u32 s1, v17  }
0x39: {  	v23 =	vmulhi.u32 $0x5397829D, v22  }
0x3a: {  	v20 =	vadd.f32 v21, v20  }
0x3b: {  	v21 =	vshrl.u32 v23, $0x4  }
0x3c: {  	[tilespmem:$0xC8A0] =	vst v20;
	v20 =	vmul.u32 $0xFFFFFFCF, v21  }
0x3d: {  	v23 =	vld.idx.msk [tilespmem:v15+s12+$0x0], $0xffff  }
0x3e: {  	v25 =	vmov s1;
	v24 =	vld.idx.msk [tilespmem:v16+s12+$0x0], $0xffff;
	v20 =	vadd.s32 v22, v20  }
0x3f: {  	vm0 =	veq.s32 v25, v17;
	vm1 =	vne.s32 v20, $0x0  }
0x40: {  	s22 =	simm.s32 $0x10;
	vm0 =	vmand vm0, vm1  }
0x41: {  	v25 =	vor.u32 s22, v17;
	v22 =	vsel vm0, $0xFFFFFFFF, v18  }
0x42: {  	v21 =	vadd.s32 v22, v21;
	v22 =	vmulhi.u32 $0x5397829D, v25  }
0x43: {  	v23 =	vadd.f32 v24, v23  }
0x44: {  	v22 =	vshrl.u32 v22, $0x4  }
0x45: {  	[tilespmem:$0xC8B0] =	vst v23;
	v23 =	vmul.u32 $0xFFFFFFCF, v22  }
0x46: {  	v20 =	vld.idx.msk [tilespmem:v20+s13+$0x0], $0xffff  }
0x47: {  	v26 =	vmov s22;
	v21 =	vld.idx.msk [tilespmem:v21+s13+$0x0], $0xffff;
	v23 =	vadd.s32 v25, v23  }
0x48: {  	vm12 =	veq.s32 v26, v17;
	vm13 =	vne.s32 v23, $0x0  }
0x49: {  	s23 =	simm.s32 $0x20;
	vm0 =	vmand vm12, vm13  }
0x4a: {  	v24 =	vor.u32 s23, v17;
	v26 =	vsel vm0, $0xFFFFFFFF, v18  }
0x4b: {  	v25 =	vmulhi.u32 $0x5397829D, v24;
	v26 =	vadd.s32 v26, v22  }
0x4c: {  	v21 =	vadd.f32 v20, v21  }
0x4d: {  	v25 =	vshrl.u32 v25, $0x4  }
0x4e: {  	v27 =	vmul.u32 $0xFFFFFFCF, v25;
	v22 =	vmov s23;
	[tilespmem:s18+$0x0] =	vst v21  }
0x4f: {  	vm14 =	veq.s32 v22, v17;
	v22 =	vld.idx.msk [tilespmem:v23+s13+$0x0], $0xffff  }
0x50: {  	v20 =	vadd.s32 v24, v27;
	v23 =	vld.idx.msk [tilespmem:v26+s13+$0x0], $0xffff  }
0x51: {  	vm15 =	vne.s32 v20, $0x0  }
0x52: {  	vm0 =	vmand vm14, vm15  }
0x53: {  	s22 =	simm.s32 $0x30;
	v24 =	vsel vm0, $0xFFFFFFFF, v18  }
0x54: {  	s24 =	simm.s32 $0x40;
	s23 =	simm.s32 $0xC900;
	v21 =	vor.u32 s22, v17;
	v24 =	vadd.s32 v24, v25  }
.LBB2_2:
0x55: {  	p0 =	sne.s32 s24, $0x960;
	v25 =	vmulhi.u32 $0x5397829D, v21;
	v22 =	vadd.f32 v22, v23  }
0x56: {  	s23 =	sadd.s32 $0x10, s23  }
0x57: {  	v25 =	vshrl.u32 v25, $0x4;
	[tilespmem:s23+$0x0] =	vst v22  }
0x58: {  	v26 =	vmul.u32 $0xFFFFFFCF, v25;
	v22 =	vld.idx.msk [tilespmem:v20+s13+$0x0], $0xffff  }
0x59: {  	v23 =	vld.idx.msk [tilespmem:v24+s13+$0x0], $0xffff  }
.Ltmp0:
0x5a: {  	v24 =	vmov s22;
	s22 =	smov.u32 s24;
	v20 =	vadd.s32 v21, v26;
	(pc) =	sbr.rel @p0 .LBB2_2-.Ltmp0, $4  }
0x5b: {  	vm0 =	veq.s32 v24, v17;
	vm1 =	vne.s32 v20, $0x0  }
0x5c: {  	vm0 =	vmand vm0, vm1  }
0x5d: {  	v24 =	vsel vm0, $0xFFFFFFFF, v18  }
0x5e: {  	s24 =	sadd.s32 $0x10, s24;
	v21 =	vor.u32 s22, v17;
	v24 =	vadd.s32 v24, v25  }
0x5f: {  	v25 =	vmulhi.u32 $0x5397829D, v21  }
0x60: {  	v22 =	vadd.f32 v22, v23  }
0x61: {  	s23 =	sadd.s32 $0x10, s23;
	v58 =	vshrl.u32 v25, $0x4  }
0x62: {  	[tilespmem:s23+$0x0] =	vst v22;
	v59 =	vmul.u32 $0xFFFFFFCF, v58  }
0x63: {  	v20 =	vld.idx.msk [tilespmem:v20+s13+$0x0], $0xffff  }
0x64: {  	v60 =	vmov s22;
	v24 =	vld.idx.msk [tilespmem:v24+s13+$0x0], $0xffff;
	v61 =	vadd.s32 v21, v59  }
0x65: {  	vm0 =	veq.s32 v60, v17;
	vm1 =	vne.s32 v61, $0x0  }
0x66: {  	vm0 =	vmand vm0, vm1  }
0x67: {  	v62 =	vsel vm0, $0xFFFFFFFF, v18  }
0x68: {  	v22 =	vadd.s32 v62, v58  }
0x69: {  	v20 =	vadd.f32 v20, v24  }
0x6a: {  	s31 =	sadd.s32 $0x10, s23  }
0x6b: {  	[tilespmem:s31+$0x0] =	vst v20  }
0x6c: {  	v20 =	vld.idx.msk [tilespmem:v61+s13+$0x0], $0xffff  }
0x6d: {  	v63 =	vld.idx.msk [tilespmem:v22+s13+$0x0], $0xffff;
	_ =	sdelay $0x4  }
0x6e: {  	v20 =	vadd.f32 v20, v63  }
0x6f: {  	s22 =	sadd.s32 $0x10, s31  }
0x70: {  	[tilespmem:s22+$0x0] =	vst v20;
	s22 =	simm.s32 $0x0  }
0x71: {  	[tilespmem:s22], [sflag:$0x1] =	stream.strided.gather [hbm4b:s4+s14], $0x6400, s15, s14, $0x38;
	[tilespmem:$0xD500] =	vst v63  }
0x72: {  	_ = 	snop  }
0x73: {  	[tilespmem:s16], [sflag:$0x2] =	stream.strided.gather [hbm4b:s5+s14], $0x6400, s15, s14, $0x38;
	[tilespmem:$0xD500] =	vst v63  }
0x74: {  	_ =	swait.ge [sflag:s17], $0x6400  }
0x75: {  	[sflag:s17] =	ssyncset.done $0x0  }
0x76: {  	s23 =	simm.s32 $0x500;
	[sflag:s17] =	ssyncadd.s32 $0xFFFF9C00  }
.LBB2_4:
0x77: {  	v26 =	vld [tilespmem:s23+$0xFFFFFE80]  }
0x78: {  	v23 =	vld [tilespmem:s23+$0xFFFFFC80]  }
0x79: {  	v24 =	vld [tilespmem:s23+$0x300]  }
0x7a: {  	v21 =	vld [tilespmem:s23+$0xFFFFFF80]  }
0x7b: {  	v20 =	vld [tilespmem:s23+$0xFFFFFB00]  }
0x7c: {  	v22 =	vld [tilespmem:s23+$0xFFFFFB80]  }
0x7d: {  	v25 =	vld [tilespmem:s23+$0xFFFFFD00]  }
0x7e: {  	v27 =	vld [tilespmem:s23+$0xFFFFFD80]  }
0x7f: {  	v28 =	vld [tilespmem:s23+$0xFFFFFF00]  }
0x80: {  	v29 =	vld [tilespmem:s23+$0xFFFFFC00];
	v20 =	vmul.u32 $0x7, v20  }
0x81: {  	v30 =	vld [tilespmem:s23+$0x100]  }
0x82: {  	v25 =	vmul.u32 $0x7, v25;
	v20 =	vadd.s32 v22, v20;
	v22 =	vld [tilespmem:s23+$0xFFFFFE00]  }
0x83: {  	v31 =	vld [tilespmem:s23+$0x180];
	v20 =	vmul.u32 $0x7, v20  }
0x84: {  	v28 =	vmul.u32 $0x7, v28;
	v25 =	vadd.s32 v27, v25;
	v27 =	vld [tilespmem:s23+$0x0]  }
0x85: {  	v32 =	vld [tilespmem:s23+$0x380];
	v25 =	vmul.u32 $0x7, v25;
	v29 =	vadd.s32 v29, v20  }
0x86: {  	v30 =	vmul.u32 $0x7, v30;
	v28 =	vadd.s32 v21, v28;
	v21 =	vld [tilespmem:s23+$0x200];
	v29 =	vmul.u32 $0x7, v29  }
0x87: {  	v33 =	vmul.u32 $0x7, v24;
	v28 =	vmul.u32 $0x7, v28;
	v25 =	vadd.s32 v22, v25;
	v22 =	vld [tilespmem:s23+$0x80]  }
0x88: {  	v24 =	vld [tilespmem:s23+$0x400];
	v30 =	vadd.s32 v31, v30;
	v34 =	vmul.u32 $0x7, v25;
	v23 =	vadd.s32 v23, v29  }
0x89: {  	v20 =	vimm.f32 $0.0e+00;
	v27 =	vadd.s32 v27, v28;
	v28 =	vmul.u32 $0x7, v30;
	v25 =	vld [tilespmem:s23+$0x280]  }
0x8a: {  	s24 =	sshll.u32 s22, $0x4;
	s25 =	simm.s32 $0x0;
	s26 =	sadd.s32 $0xA00, s23;
	v30 =	vadd.s32 v32, v33;
	v29 =	vmul.u32 $0x7, v27;
	v27 =	vld [tilespmem:s23+$0x480];
	v26 =	vadd.s32 v26, v34  }
.LBB2_5:
0x8b: {  	v31 =	vld [tilespmem:s26+$0xFFFFFE80];
	v21 =	vadd.s32 v21, v28;
	v28 =	vmul.u32 $0x7, v30  }
0x8c: {  	v30 =	vld [tilespmem:s26+$0xFFFFFC80];
	v22 =	vadd.s32 v22, v29;
	v21 =	vmul.u32 $0x7, v21  }
0x8d: {  	v23 =	vld.idx.msk [tilespmem:v23+s18+$0x0], $0xffff;
	v24 =	vadd.s32 v24, v28  }
0x8e: {  	v28 =	vld [tilespmem:s26+$0x300];
	v21 =	vadd.s32 v25, v21;
	v24 =	vmul.u32 $0x7, v24  }
0x8f: {  	v25 =	vld.idx.msk [tilespmem:v26+s18+$0x0], $0xffff  }
0x90: {  	v26 =	vld [tilespmem:s26+$0xFFFFFF80];
	v24 =	vadd.s32 v27, v24  }
0x91: {  	v22 =	vld.idx.msk [tilespmem:v22+s18+$0x0], $0xffff  }
0x92: {  	v27 =	vld [tilespmem:s26+$0xFFFFFB80]  }
0x93: {  	v20 =	vadd.f32 v23, v20;
	v21 =	vld.idx.msk [tilespmem:v21+s18+$0x0], $0xffff  }
0x94: {  	s25 =	sadd.s32 $0x5, s25;
	v23 =	vld [tilespmem:s26+$0xFFFFFB00]  }
0x95: {  	p0 =	slt.u32 s25, $0x2D;
	v20 =	vadd.f32 v25, v20;
	v24 =	vld.idx.msk [tilespmem:v24+s18+$0x0], $0xffff  }
0x96: {  	v25 =	vld [tilespmem:s26+$0xFFFFFD00]  }
0x97: {  	v20 =	vadd.f32 v22, v20;
	v29 =	vld [tilespmem:s26+$0xFFFFFD80]  }
0x98: {  	v22 =	vld [tilespmem:s26+$0xFFFFFF00]  }
0x99: {  	v20 =	vadd.f32 v21, v20;
	v32 =	vld [tilespmem:s26+$0xFFFFFC00];
	v23 =	vmul.u32 $0x7, v23  }
0x9a: {  	v33 =	vld [tilespmem:s26+$0x100]  }
0x9b: {  	v20 =	vadd.f32 v24, v20;
	v21 =	vadd.s32 v27, v23;
	v23 =	vld [tilespmem:s26+$0xFFFFFE00];
	v25 =	vmul.u32 $0x7, v25  }
0x9c: {  	v21 =	vmul.u32 $0x7, v21;
	v24 =	vld [tilespmem:s26+$0x180]  }
0x9d: {  	v25 =	vadd.s32 v29, v25;
	v27 =	vld [tilespmem:s26+$0x0];
	v22 =	vmul.u32 $0x7, v22  }
0x9e: {  	v21 =	vadd.s32 v32, v21;
	v25 =	vmul.u32 $0x7, v25;
	v32 =	vld [tilespmem:s26+$0x380]  }
.Ltmp1:
0x9f: {  	v29 =	vmul.u32 $0x7, v21;
	v26 =	vadd.s32 v26, v22;
	v21 =	vld [tilespmem:s26+$0x200];
	v33 =	vmul.u32 $0x7, v33;
	(pc) =	sbr.rel @p0 .LBB2_5-.Ltmp1, $4  }
0xa0: {  	v34 =	vmul.u32 $0x7, v28;
	v25 =	vadd.s32 v23, v25;
	v22 =	vld [tilespmem:s26+$0x80];
	v26 =	vmul.u32 $0x7, v26  }
0xa1: {  	v23 =	vadd.s32 v30, v29;
	v29 =	vmul.u32 $0x7, v25;
	v28 =	vadd.s32 v24, v33;
	v24 =	vld [tilespmem:s26+$0x400]  }
0xa2: {  	v27 =	vadd.s32 v27, v26;
	v25 =	vld [tilespmem:s26+$0x280];
	v28 =	vmul.u32 $0x7, v28  }
0xa3: {  	v26 =	vadd.s32 v31, v29;
	v29 =	vmul.u32 $0x7, v27;
	v27 =	vld [tilespmem:s26+$0x480];
	v30 =	vadd.s32 v32, v34;
	s26 =	sadd.s32 $0xA00, s26  }
0xa4: {  	_ =	sdelay $0x1  }
0xa5: {  	v21 =	vadd.s32 v21, v28;
	v61 =	vmul.u32 $0x7, v30  }
0xa6: {  	v22 =	vadd.s32 v22, v29;
	v21 =	vmul.u32 $0x7, v21  }
0xa7: {  	v23 =	vld.idx.msk [tilespmem:v23+s18+$0x0], $0xffff;
	v24 =	vadd.s32 v24, v61  }
0xa8: {  	v21 =	vadd.s32 v25, v21;
	v24 =	vmul.u32 $0x7, v24  }
0xa9: {  	v62 =	vld.idx.msk [tilespmem:v26+s18+$0x0], $0xffff  }
0xaa: {  	v24 =	vadd.s32 v27, v24  }
0xab: {  	v22 =	vld.idx.msk [tilespmem:v22+s18+$0x0], $0xffff  }
0xac: {  	v20 =	vadd.f32 v23, v20  }
0xad: {  	v21 =	vld.idx.msk [tilespmem:v21+s18+$0x0], $0xffff  }
0xae: {  	v20 =	vadd.f32 v62, v20  }
0xaf: {  	v63 =	vld.idx.msk [tilespmem:v24+s18+$0x0], $0xffff  }
0xb0: {  	v20 =	vadd.f32 v22, v20;
	_ =	sdelay $0x1  }
0xb1: {  	v20 =	vadd.f32 v21, v20;
	_ =	sdelay $0x1  }
0xb2: {  	v20 =	vadd.f32 v63, v20;
	_ =	sdelay $0x1  }
0xb3: {  	v20 =	vadd.f32 v20, v19;
	_ =	sdelay $0x1  }
0xb4: {  	v20 =	vsub.f32 $0.0e+00, v20;
	_ =	sdelay $0x1  }
0xb5: {  	v20 =	vmul.f32 $1.442695020e+00, v20;
	_ =	sdelay $0x1  }
0xb6: {  	(erf) = vpow2.f32 v20;
	_ =	sdelay $0x8  }
0xb7: {  	v20 =	vpop (erf)  }
0xb8: {  	v20 =	vadd.f32 $1.000000000e+00, v20;
	_ =	sdelay $0x1  }
0xb9: {  	(erf) = vrcp.f32 v20;
	_ =	sdelay $0x3  }
0xba: {  	s22 =	sadd.s32 $0x1, s22  }
0xbb: {  	p0 =	sne.s32 s22, $0x8  }
.Ltmp2:
0xbc: {  	_ = 	snop;
	(pc) =	sbr.rel @p0 .LBB2_4-.Ltmp2, $3  }
0xbd: {  	_ =	sdelay $0x1  }
0xbe: {  	v20 =	vpop (erf)  }
0xbf: {  	s23 =	sadd.s32 $0x10, s23;
	[tilespmem:s24+$0xD280] =	vst v20  }
0xc0: {  	s22 =	simm.s32 $0x0  }
0xc1: {  	[tilespmem:s22], [sflag:$0x1] =	stream.strided.gather [hbm4b:s6+s14], $0x6400, s15, s14, $0x38;
	[tilespmem:$0xD500] =	vst v63  }
0xc2: {  	_ =	swait.ge [sflag:s19], $0x6400  }
0xc3: {  	[sflag:s19] =	ssyncset.done $0x0  }
0xc4: {  	s23 =	simm.s32 $0x6D80;
	[sflag:s19] =	ssyncadd.s32 $0xFFFF9C00  }
.LBB2_8:
0xc5: {  	v26 =	vld [tilespmem:s23+$0xFFFFFA00]  }
0xc6: {  	v23 =	vld [tilespmem:s23+$0xFFFFF800]  }
0xc7: {  	v24 =	vld [tilespmem:s23+$0xFFFFFE80]  }
0xc8: {  	v21 =	vld [tilespmem:s23+$0xFFFFFB00]  }
0xc9: {  	v20 =	vld [tilespmem:s23+$0xFFFFF680]  }
0xca: {  	v22 =	vld [tilespmem:s23+$0xFFFFF700]  }
0xcb: {  	v25 =	vld [tilespmem:s23+$0xFFFFF880]  }
0xcc: {  	v27 =	vld [tilespmem:s23+$0xFFFFF900]  }
0xcd: {  	v28 =	vld [tilespmem:s23+$0xFFFFFA80]  }
0xce: {  	v29 =	vld [tilespmem:s23+$0xFFFFF780];
	v20 =	vmul.u32 $0x7, v20  }
0xcf: {  	v30 =	vld [tilespmem:s23+$0xFFFFFC80]  }
0xd0: {  	v25 =	vmul.u32 $0x7, v25;
	v20 =	vadd.s32 v22, v20;
	v22 =	vld [tilespmem:s23+$0xFFFFF980]  }
0xd1: {  	v31 =	vld [tilespmem:s23+$0xFFFFFD00];
	v20 =	vmul.u32 $0x7, v20  }
0xd2: {  	v28 =	vmul.u32 $0x7, v28;
	v25 =	vadd.s32 v27, v25;
	v27 =	vld [tilespmem:s23+$0xFFFFFB80]  }
0xd3: {  	v32 =	vld [tilespmem:s23+$0xFFFFFF00];
	v25 =	vmul.u32 $0x7, v25;
	v29 =	vadd.s32 v29, v20  }
0xd4: {  	v30 =	vmul.u32 $0x7, v30;
	v28 =	vadd.s32 v21, v28;
	v21 =	vld [tilespmem:s23+$0xFFFFFD80];
	v29 =	vmul.u32 $0x7, v29  }
0xd5: {  	v33 =	vmul.u32 $0x7, v24;
	v28 =	vmul.u32 $0x7, v28;
	v25 =	vadd.s32 v22, v25;
	v22 =	vld [tilespmem:s23+$0xFFFFFC00]  }
0xd6: {  	v24 =	vld [tilespmem:s23+$0xFFFFFF80];
	v30 =	vadd.s32 v31, v30;
	v34 =	vmul.u32 $0x7, v25;
	v23 =	vadd.s32 v23, v29  }
0xd7: {  	v20 =	vimm.f32 $0.0e+00;
	v27 =	vadd.s32 v27, v28;
	v28 =	vmul.u32 $0x7, v30;
	v25 =	vld [tilespmem:s23+$0xFFFFFE00]  }
0xd8: {  	s24 =	sshll.u32 s22, $0x4;
	s25 =	simm.s32 $0x0;
	s26 =	sadd.s32 $0xA00, s23;
	v30 =	vadd.s32 v32, v33;
	v29 =	vmul.u32 $0x7, v27;
	v27 =	vld [tilespmem:s23+$0x0];
	v26 =	vadd.s32 v26, v34  }
.LBB2_9:
0xd9: {  	v31 =	vld [tilespmem:s26+$0xFFFFFA00];
	v21 =	vadd.s32 v21, v28;
	v28 =	vmul.u32 $0x7, v30  }
0xda: {  	v30 =	vld [tilespmem:s26+$0xFFFFF800];
	v22 =	vadd.s32 v22, v29;
	v21 =	vmul.u32 $0x7, v21  }
0xdb: {  	v23 =	vld.idx.msk [tilespmem:v23+s18+$0x0], $0xffff;
	v24 =	vadd.s32 v24, v28  }
0xdc: {  	v28 =	vld [tilespmem:s26+$0xFFFFFE80];
	v21 =	vadd.s32 v25, v21;
	v24 =	vmul.u32 $0x7, v24  }
0xdd: {  	v25 =	vld.idx.msk [tilespmem:v26+s18+$0x0], $0xffff  }
0xde: {  	v26 =	vld [tilespmem:s26+$0xFFFFFB00];
	v24 =	vadd.s32 v27, v24  }
0xdf: {  	v22 =	vld.idx.msk [tilespmem:v22+s18+$0x0], $0xffff  }
0xe0: {  	v27 =	vld [tilespmem:s26+$0xFFFFF700]  }
0xe1: {  	v20 =	vadd.f32 v23, v20;
	v21 =	vld.idx.msk [tilespmem:v21+s18+$0x0], $0xffff  }
0xe2: {  	s25 =	sadd.s32 $0x5, s25;
	v23 =	vld [tilespmem:s26+$0xFFFFF680]  }
0xe3: {  	p0 =	slt.u32 s25, $0x2D;
	v20 =	vadd.f32 v25, v20;
	v24 =	vld.idx.msk [tilespmem:v24+s18+$0x0], $0xffff  }
0xe4: {  	v25 =	vld [tilespmem:s26+$0xFFFFF880]  }
0xe5: {  	v20 =	vadd.f32 v22, v20;
	v29 =	vld [tilespmem:s26+$0xFFFFF900]  }
0xe6: {  	v22 =	vld [tilespmem:s26+$0xFFFFFA80]  }
0xe7: {  	v20 =	vadd.f32 v21, v20;
	v32 =	vld [tilespmem:s26+$0xFFFFF780];
	v23 =	vmul.u32 $0x7, v23  }
0xe8: {  	v33 =	vld [tilespmem:s26+$0xFFFFFC80]  }
0xe9: {  	v20 =	vadd.f32 v24, v20;
	v21 =	vadd.s32 v27, v23;
	v23 =	vld [tilespmem:s26+$0xFFFFF980];
	v25 =	vmul.u32 $0x7, v25  }
0xea: {  	v21 =	vmul.u32 $0x7, v21;
	v24 =	vld [tilespmem:s26+$0xFFFFFD00]  }
0xeb: {  	v25 =	vadd.s32 v29, v25;
	v27 =	vld [tilespmem:s26+$0xFFFFFB80];
	v22 =	vmul.u32 $0x7, v22  }
0xec: {  	v21 =	vadd.s32 v32, v21;
	v25 =	vmul.u32 $0x7, v25;
	v32 =	vld [tilespmem:s26+$0xFFFFFF00]  }
.Ltmp3:
0xed: {  	v29 =	vmul.u32 $0x7, v21;
	v26 =	vadd.s32 v26, v22;
	v21 =	vld [tilespmem:s26+$0xFFFFFD80];
	v33 =	vmul.u32 $0x7, v33;
	(pc) =	sbr.rel @p0 .LBB2_9-.Ltmp3, $4  }
0xee: {  	v34 =	vmul.u32 $0x7, v28;
	v25 =	vadd.s32 v23, v25;
	v22 =	vld [tilespmem:s26+$0xFFFFFC00];
	v26 =	vmul.u32 $0x7, v26  }
0xef: {  	v23 =	vadd.s32 v30, v29;
	v29 =	vmul.u32 $0x7, v25;
	v28 =	vadd.s32 v24, v33;
	v24 =	vld [tilespmem:s26+$0xFFFFFF80]  }
0xf0: {  	v27 =	vadd.s32 v27, v26;
	v25 =	vld [tilespmem:s26+$0xFFFFFE00];
	v28 =	vmul.u32 $0x7, v28  }
0xf1: {  	v26 =	vadd.s32 v31, v29;
	v29 =	vmul.u32 $0x7, v27;
	v27 =	vld [tilespmem:s26+$0x0];
	v30 =	vadd.s32 v32, v34;
	s26 =	sadd.s32 $0xA00, s26  }
0xf2: {  	_ =	sdelay $0x1  }
0xf3: {  	v21 =	vadd.s32 v21, v28;
	v61 =	vmul.u32 $0x7, v30  }
0xf4: {  	v22 =	vadd.s32 v22, v29;
	v21 =	vmul.u32 $0x7, v21  }
0xf5: {  	v23 =	vld.idx.msk [tilespmem:v23+s18+$0x0], $0xffff;
	v24 =	vadd.s32 v24, v61  }
0xf6: {  	v21 =	vadd.s32 v25, v21;
	v24 =	vmul.u32 $0x7, v24  }
0xf7: {  	v62 =	vld.idx.msk [tilespmem:v26+s18+$0x0], $0xffff  }
0xf8: {  	v24 =	vadd.s32 v27, v24  }
0xf9: {  	v22 =	vld.idx.msk [tilespmem:v22+s18+$0x0], $0xffff  }
0xfa: {  	v20 =	vadd.f32 v23, v20  }
0xfb: {  	v21 =	vld.idx.msk [tilespmem:v21+s18+$0x0], $0xffff  }
0xfc: {  	v20 =	vadd.f32 v62, v20  }
0xfd: {  	v63 =	vld.idx.msk [tilespmem:v24+s18+$0x0], $0xffff  }
0xfe: {  	v20 =	vadd.f32 v22, v20;
	_ =	sdelay $0x1  }
0xff: {  	v20 =	vadd.f32 v21, v20;
	_ =	sdelay $0x1  }
0x100: {  	v20 =	vadd.f32 v63, v20;
	_ =	sdelay $0x1  }
0x101: {  	v20 =	vadd.f32 v20, v19;
	_ =	sdelay $0x1  }
0x102: {  	v20 =	vsub.f32 $0.0e+00, v20;
	_ =	sdelay $0x1  }
0x103: {  	v20 =	vmul.f32 $1.442695020e+00, v20;
	_ =	sdelay $0x1  }
0x104: {  	(erf) = vpow2.f32 v20;
	_ =	sdelay $0x8  }
0x105: {  	v20 =	vpop (erf)  }
0x106: {  	v20 =	vadd.f32 $1.000000000e+00, v20;
	_ =	sdelay $0x1  }
0x107: {  	(erf) = vrcp.f32 v20;
	_ =	sdelay $0x3  }
0x108: {  	s22 =	sadd.s32 $0x1, s22  }
0x109: {  	p0 =	sne.s32 s22, $0x8  }
.Ltmp4:
0x10a: {  	_ = 	snop;
	(pc) =	sbr.rel @p0 .LBB2_8-.Ltmp4, $3  }
0x10b: {  	_ =	sdelay $0x1  }
0x10c: {  	v20 =	vpop (erf)  }
0x10d: {  	s23 =	sadd.s32 $0x10, s23;
	[tilespmem:s24+$0xD300] =	vst v20  }
0x10e: {  	[tilespmem:s16], [sflag:$0x2] =	stream.strided.gather [hbm4b:s7+s14], $0x6400, s15, s14, $0x38;
	[tilespmem:$0xD500] =	vst v63  }
0x10f: {  	_ =	swait.ge [sflag:s17], $0x6400  }
0x110: {  	[sflag:s17] =	ssyncset.done $0x0  }
0x111: {  	s22 =	simm.s32 $0x0;
	s23 =	simm.s32 $0x500;
	[sflag:s17] =	ssyncadd.s32 $0xFFFF9C00  }
.LBB2_12:
0x112: {  	v26 =	vld [tilespmem:s23+$0xFFFFFE80]  }
0x113: {  	v23 =	vld [tilespmem:s23+$0xFFFFFC80]  }
0x114: {  	v24 =	vld [tilespmem:s23+$0x300]  }
0x115: {  	v21 =	vld [tilespmem:s23+$0xFFFFFF80]  }
0x116: {  	v20 =	vld [tilespmem:s23+$0xFFFFFB00]  }
0x117: {  	v22 =	vld [tilespmem:s23+$0xFFFFFB80]  }
0x118: {  	v25 =	vld [tilespmem:s23+$0xFFFFFD00]  }
0x119: {  	v27 =	vld [tilespmem:s23+$0xFFFFFD80]  }
0x11a: {  	v28 =	vld [tilespmem:s23+$0xFFFFFF00]  }
0x11b: {  	v29 =	vld [tilespmem:s23+$0xFFFFFC00];
	v20 =	vmul.u32 $0x7, v20  }
0x11c: {  	v30 =	vld [tilespmem:s23+$0x100]  }
0x11d: {  	v25 =	vmul.u32 $0x7, v25;
	v20 =	vadd.s32 v22, v20;
	v22 =	vld [tilespmem:s23+$0xFFFFFE00]  }
0x11e: {  	v31 =	vld [tilespmem:s23+$0x180];
	v20 =	vmul.u32 $0x7, v20  }
0x11f: {  	v28 =	vmul.u32 $0x7, v28;
	v25 =	vadd.s32 v27, v25;
	v27 =	vld [tilespmem:s23+$0x0]  }
0x120: {  	v32 =	vld [tilespmem:s23+$0x380];
	v25 =	vmul.u32 $0x7, v25;
	v29 =	vadd.s32 v29, v20  }
0x121: {  	v30 =	vmul.u32 $0x7, v30;
	v28 =	vadd.s32 v21, v28;
	v21 =	vld [tilespmem:s23+$0x200];
	v29 =	vmul.u32 $0x7, v29  }
0x122: {  	v33 =	vmul.u32 $0x7, v24;
	v28 =	vmul.u32 $0x7, v28;
	v25 =	vadd.s32 v22, v25;
	v22 =	vld [tilespmem:s23+$0x80]  }
0x123: {  	v24 =	vld [tilespmem:s23+$0x400];
	v30 =	vadd.s32 v31, v30;
	v34 =	vmul.u32 $0x7, v25;
	v23 =	vadd.s32 v23, v29  }
0x124: {  	v20 =	vimm.f32 $0.0e+00;
	v27 =	vadd.s32 v27, v28;
	v28 =	vmul.u32 $0x7, v30;
	v25 =	vld [tilespmem:s23+$0x280]  }
0x125: {  	s24 =	sshll.u32 s22, $0x4;
	s25 =	simm.s32 $0x0;
	s26 =	sadd.s32 $0xA00, s23;
	v30 =	vadd.s32 v32, v33;
	v29 =	vmul.u32 $0x7, v27;
	v27 =	vld [tilespmem:s23+$0x480];
	v26 =	vadd.s32 v26, v34  }
.LBB2_13:
0x126: {  	v31 =	vld [tilespmem:s26+$0xFFFFFE80];
	v21 =	vadd.s32 v21, v28;
	v28 =	vmul.u32 $0x7, v30  }
0x127: {  	v30 =	vld [tilespmem:s26+$0xFFFFFC80];
	v22 =	vadd.s32 v22, v29;
	v21 =	vmul.u32 $0x7, v21  }
0x128: {  	v23 =	vld.idx.msk [tilespmem:v23+s18+$0x0], $0xffff;
	v24 =	vadd.s32 v24, v28  }
0x129: {  	v28 =	vld [tilespmem:s26+$0x300];
	v21 =	vadd.s32 v25, v21;
	v24 =	vmul.u32 $0x7, v24  }
0x12a: {  	v25 =	vld.idx.msk [tilespmem:v26+s18+$0x0], $0xffff  }
0x12b: {  	v26 =	vld [tilespmem:s26+$0xFFFFFF80];
	v24 =	vadd.s32 v27, v24  }
0x12c: {  	v22 =	vld.idx.msk [tilespmem:v22+s18+$0x0], $0xffff  }
0x12d: {  	v27 =	vld [tilespmem:s26+$0xFFFFFB80]  }
0x12e: {  	v20 =	vadd.f32 v23, v20;
	v21 =	vld.idx.msk [tilespmem:v21+s18+$0x0], $0xffff  }
0x12f: {  	s25 =	sadd.s32 $0x5, s25;
	v23 =	vld [tilespmem:s26+$0xFFFFFB00]  }
0x130: {  	p0 =	slt.u32 s25, $0x2D;
	v20 =	vadd.f32 v25, v20;
	v24 =	vld.idx.msk [tilespmem:v24+s18+$0x0], $0xffff  }
0x131: {  	v25 =	vld [tilespmem:s26+$0xFFFFFD00]  }
0x132: {  	v20 =	vadd.f32 v22, v20;
	v29 =	vld [tilespmem:s26+$0xFFFFFD80]  }
0x133: {  	v22 =	vld [tilespmem:s26+$0xFFFFFF00]  }
0x134: {  	v20 =	vadd.f32 v21, v20;
	v32 =	vld [tilespmem:s26+$0xFFFFFC00];
	v23 =	vmul.u32 $0x7, v23  }
0x135: {  	v33 =	vld [tilespmem:s26+$0x100]  }
0x136: {  	v20 =	vadd.f32 v24, v20;
	v21 =	vadd.s32 v27, v23;
	v23 =	vld [tilespmem:s26+$0xFFFFFE00];
	v25 =	vmul.u32 $0x7, v25  }
0x137: {  	v21 =	vmul.u32 $0x7, v21;
	v24 =	vld [tilespmem:s26+$0x180]  }
0x138: {  	v25 =	vadd.s32 v29, v25;
	v27 =	vld [tilespmem:s26+$0x0];
	v22 =	vmul.u32 $0x7, v22  }
0x139: {  	v21 =	vadd.s32 v32, v21;
	v25 =	vmul.u32 $0x7, v25;
	v32 =	vld [tilespmem:s26+$0x380]  }
.Ltmp5:
0x13a: {  	v29 =	vmul.u32 $0x7, v21;
	v26 =	vadd.s32 v26, v22;
	v21 =	vld [tilespmem:s26+$0x200];
	v33 =	vmul.u32 $0x7, v33;
	(pc) =	sbr.rel @p0 .LBB2_13-.Ltmp5, $4  }
0x13b: {  	v34 =	vmul.u32 $0x7, v28;
	v25 =	vadd.s32 v23, v25;
	v22 =	vld [tilespmem:s26+$0x80];
	v26 =	vmul.u32 $0x7, v26  }
0x13c: {  	v23 =	vadd.s32 v30, v29;
	v29 =	vmul.u32 $0x7, v25;
	v28 =	vadd.s32 v24, v33;
	v24 =	vld [tilespmem:s26+$0x400]  }
0x13d: {  	v27 =	vadd.s32 v27, v26;
	v25 =	vld [tilespmem:s26+$0x280];
	v28 =	vmul.u32 $0x7, v28  }
0x13e: {  	v26 =	vadd.s32 v31, v29;
	v29 =	vmul.u32 $0x7, v27;
	v27 =	vld [tilespmem:s26+$0x480];
	v30 =	vadd.s32 v32, v34;
	s26 =	sadd.s32 $0xA00, s26  }
0x13f: {  	_ =	sdelay $0x1  }
0x140: {  	v21 =	vadd.s32 v21, v28;
	v61 =	vmul.u32 $0x7, v30  }
0x141: {  	v22 =	vadd.s32 v22, v29;
	v21 =	vmul.u32 $0x7, v21  }
0x142: {  	v23 =	vld.idx.msk [tilespmem:v23+s18+$0x0], $0xffff;
	v24 =	vadd.s32 v24, v61  }
0x143: {  	v21 =	vadd.s32 v25, v21;
	v24 =	vmul.u32 $0x7, v24  }
0x144: {  	v62 =	vld.idx.msk [tilespmem:v26+s18+$0x0], $0xffff  }
0x145: {  	v24 =	vadd.s32 v27, v24  }
0x146: {  	v22 =	vld.idx.msk [tilespmem:v22+s18+$0x0], $0xffff  }
0x147: {  	v20 =	vadd.f32 v23, v20  }
0x148: {  	v21 =	vld.idx.msk [tilespmem:v21+s18+$0x0], $0xffff  }
0x149: {  	v20 =	vadd.f32 v62, v20  }
0x14a: {  	v63 =	vld.idx.msk [tilespmem:v24+s18+$0x0], $0xffff  }
0x14b: {  	v20 =	vadd.f32 v22, v20;
	_ =	sdelay $0x1  }
0x14c: {  	v20 =	vadd.f32 v21, v20;
	_ =	sdelay $0x1  }
0x14d: {  	v20 =	vadd.f32 v63, v20;
	_ =	sdelay $0x1  }
0x14e: {  	v20 =	vadd.f32 v20, v19;
	_ =	sdelay $0x1  }
0x14f: {  	v20 =	vsub.f32 $0.0e+00, v20;
	_ =	sdelay $0x1  }
0x150: {  	v20 =	vmul.f32 $1.442695020e+00, v20;
	_ =	sdelay $0x1  }
0x151: {  	(erf) = vpow2.f32 v20;
	_ =	sdelay $0x8  }
0x152: {  	v20 =	vpop (erf)  }
0x153: {  	v20 =	vadd.f32 $1.000000000e+00, v20;
	_ =	sdelay $0x1  }
0x154: {  	(erf) = vrcp.f32 v20;
	_ =	sdelay $0x3  }
0x155: {  	s22 =	sadd.s32 $0x1, s22  }
0x156: {  	p0 =	sne.s32 s22, $0x8  }
.Ltmp6:
0x157: {  	_ = 	snop;
	(pc) =	sbr.rel @p0 .LBB2_12-.Ltmp6, $3  }
0x158: {  	_ =	sdelay $0x1  }
0x159: {  	v20 =	vpop (erf)  }
0x15a: {  	s23 =	sadd.s32 $0x10, s23;
	[tilespmem:s24+$0xD380] =	vst v20  }
0x15b: {  	_ =	swait.ge [sflag:s19], $0x6400  }
0x15c: {  	[sflag:s19] =	ssyncset.done $0x0  }
0x15d: {  	s22 =	simm.s32 $0x0;
	s23 =	simm.s32 $0x6D80;
	[sflag:s19] =	ssyncadd.s32 $0xFFFF9C00  }
.LBB2_16:
0x15e: {  	v26 =	vld [tilespmem:s23+$0xFFFFFA00]  }
0x15f: {  	v23 =	vld [tilespmem:s23+$0xFFFFF800]  }
0x160: {  	v24 =	vld [tilespmem:s23+$0xFFFFFE80]  }
0x161: {  	v21 =	vld [tilespmem:s23+$0xFFFFFB00]  }
0x162: {  	v20 =	vld [tilespmem:s23+$0xFFFFF680]  }
0x163: {  	v22 =	vld [tilespmem:s23+$0xFFFFF700]  }
0x164: {  	v25 =	vld [tilespmem:s23+$0xFFFFF880]  }
0x165: {  	v27 =	vld [tilespmem:s23+$0xFFFFF900]  }
0x166: {  	v28 =	vld [tilespmem:s23+$0xFFFFFA80]  }
0x167: {  	v29 =	vld [tilespmem:s23+$0xFFFFF780];
	v20 =	vmul.u32 $0x7, v20  }
0x168: {  	v30 =	vld [tilespmem:s23+$0xFFFFFC80]  }
0x169: {  	v25 =	vmul.u32 $0x7, v25;
	v20 =	vadd.s32 v22, v20;
	v22 =	vld [tilespmem:s23+$0xFFFFF980]  }
0x16a: {  	v31 =	vld [tilespmem:s23+$0xFFFFFD00];
	v20 =	vmul.u32 $0x7, v20  }
0x16b: {  	v28 =	vmul.u32 $0x7, v28;
	v25 =	vadd.s32 v27, v25;
	v27 =	vld [tilespmem:s23+$0xFFFFFB80]  }
0x16c: {  	v32 =	vld [tilespmem:s23+$0xFFFFFF00];
	v25 =	vmul.u32 $0x7, v25;
	v29 =	vadd.s32 v29, v20  }
0x16d: {  	v30 =	vmul.u32 $0x7, v30;
	v28 =	vadd.s32 v21, v28;
	v21 =	vld [tilespmem:s23+$0xFFFFFD80];
	v29 =	vmul.u32 $0x7, v29  }
0x16e: {  	v33 =	vmul.u32 $0x7, v24;
	v28 =	vmul.u32 $0x7, v28;
	v25 =	vadd.s32 v22, v25;
	v22 =	vld [tilespmem:s23+$0xFFFFFC00]  }
0x16f: {  	v24 =	vld [tilespmem:s23+$0xFFFFFF80];
	v30 =	vadd.s32 v31, v30;
	v34 =	vmul.u32 $0x7, v25;
	v23 =	vadd.s32 v23, v29  }
0x170: {  	v20 =	vimm.f32 $0.0e+00;
	v27 =	vadd.s32 v27, v28;
	v28 =	vmul.u32 $0x7, v30;
	v25 =	vld [tilespmem:s23+$0xFFFFFE00]  }
0x171: {  	s24 =	sshll.u32 s22, $0x4;
	s25 =	simm.s32 $0x0;
	s26 =	sadd.s32 $0xA00, s23;
	v30 =	vadd.s32 v32, v33;
	v29 =	vmul.u32 $0x7, v27;
	v27 =	vld [tilespmem:s23+$0x0];
	v26 =	vadd.s32 v26, v34  }
.LBB2_17:
0x172: {  	v31 =	vld [tilespmem:s26+$0xFFFFFA00];
	v21 =	vadd.s32 v21, v28;
	v28 =	vmul.u32 $0x7, v30  }
0x173: {  	v30 =	vld [tilespmem:s26+$0xFFFFF800];
	v22 =	vadd.s32 v22, v29;
	v21 =	vmul.u32 $0x7, v21  }
0x174: {  	v23 =	vld.idx.msk [tilespmem:v23+s18+$0x0], $0xffff;
	v24 =	vadd.s32 v24, v28  }
0x175: {  	v28 =	vld [tilespmem:s26+$0xFFFFFE80];
	v21 =	vadd.s32 v25, v21;
	v24 =	vmul.u32 $0x7, v24  }
0x176: {  	v25 =	vld.idx.msk [tilespmem:v26+s18+$0x0], $0xffff  }
0x177: {  	v26 =	vld [tilespmem:s26+$0xFFFFFB00];
	v24 =	vadd.s32 v27, v24  }
0x178: {  	v22 =	vld.idx.msk [tilespmem:v22+s18+$0x0], $0xffff  }
0x179: {  	v27 =	vld [tilespmem:s26+$0xFFFFF700]  }
0x17a: {  	v20 =	vadd.f32 v23, v20;
	v21 =	vld.idx.msk [tilespmem:v21+s18+$0x0], $0xffff  }
0x17b: {  	s25 =	sadd.s32 $0x5, s25;
	v23 =	vld [tilespmem:s26+$0xFFFFF680]  }
0x17c: {  	p0 =	slt.u32 s25, $0x2D;
	v20 =	vadd.f32 v25, v20;
	v24 =	vld.idx.msk [tilespmem:v24+s18+$0x0], $0xffff  }
0x17d: {  	v25 =	vld [tilespmem:s26+$0xFFFFF880]  }
0x17e: {  	v20 =	vadd.f32 v22, v20;
	v29 =	vld [tilespmem:s26+$0xFFFFF900]  }
0x17f: {  	v22 =	vld [tilespmem:s26+$0xFFFFFA80]  }
0x180: {  	v20 =	vadd.f32 v21, v20;
	v32 =	vld [tilespmem:s26+$0xFFFFF780];
	v23 =	vmul.u32 $0x7, v23  }
0x181: {  	v33 =	vld [tilespmem:s26+$0xFFFFFC80]  }
0x182: {  	v20 =	vadd.f32 v24, v20;
	v21 =	vadd.s32 v27, v23;
	v23 =	vld [tilespmem:s26+$0xFFFFF980];
	v25 =	vmul.u32 $0x7, v25  }
0x183: {  	v21 =	vmul.u32 $0x7, v21;
	v24 =	vld [tilespmem:s26+$0xFFFFFD00]  }
0x184: {  	v25 =	vadd.s32 v29, v25;
	v27 =	vld [tilespmem:s26+$0xFFFFFB80];
	v22 =	vmul.u32 $0x7, v22  }
0x185: {  	v21 =	vadd.s32 v32, v21;
	v25 =	vmul.u32 $0x7, v25;
	v32 =	vld [tilespmem:s26+$0xFFFFFF00]  }
.Ltmp7:
0x186: {  	v29 =	vmul.u32 $0x7, v21;
	v26 =	vadd.s32 v26, v22;
	v21 =	vld [tilespmem:s26+$0xFFFFFD80];
	v33 =	vmul.u32 $0x7, v33;
	(pc) =	sbr.rel @p0 .LBB2_17-.Ltmp7, $4  }
0x187: {  	v34 =	vmul.u32 $0x7, v28;
	v25 =	vadd.s32 v23, v25;
	v22 =	vld [tilespmem:s26+$0xFFFFFC00];
	v26 =	vmul.u32 $0x7, v26  }
0x188: {  	v23 =	vadd.s32 v30, v29;
	v29 =	vmul.u32 $0x7, v25;
	v28 =	vadd.s32 v24, v33;
	v24 =	vld [tilespmem:s26+$0xFFFFFF80]  }
0x189: {  	v27 =	vadd.s32 v27, v26;
	v25 =	vld [tilespmem:s26+$0xFFFFFE00];
	v28 =	vmul.u32 $0x7, v28  }
0x18a: {  	v26 =	vadd.s32 v31, v29;
	v29 =	vmul.u32 $0x7, v27;
	v27 =	vld [tilespmem:s26+$0x0];
	v30 =	vadd.s32 v32, v34;
	s26 =	sadd.s32 $0xA00, s26  }
0x18b: {  	_ =	sdelay $0x1  }
0x18c: {  	v21 =	vadd.s32 v21, v28;
	v61 =	vmul.u32 $0x7, v30  }
0x18d: {  	v22 =	vadd.s32 v22, v29;
	v21 =	vmul.u32 $0x7, v21  }
0x18e: {  	v23 =	vld.idx.msk [tilespmem:v23+s18+$0x0], $0xffff;
	v24 =	vadd.s32 v24, v61  }
0x18f: {  	v21 =	vadd.s32 v25, v21;
	v24 =	vmul.u32 $0x7, v24  }
0x190: {  	v62 =	vld.idx.msk [tilespmem:v26+s18+$0x0], $0xffff  }
0x191: {  	v24 =	vadd.s32 v27, v24  }
0x192: {  	v22 =	vld.idx.msk [tilespmem:v22+s18+$0x0], $0xffff  }
0x193: {  	v20 =	vadd.f32 v23, v20  }
0x194: {  	v21 =	vld.idx.msk [tilespmem:v21+s18+$0x0], $0xffff  }
0x195: {  	v20 =	vadd.f32 v62, v20  }
0x196: {  	v63 =	vld.idx.msk [tilespmem:v24+s18+$0x0], $0xffff  }
0x197: {  	v20 =	vadd.f32 v22, v20;
	_ =	sdelay $0x1  }
0x198: {  	v20 =	vadd.f32 v21, v20;
	_ =	sdelay $0x1  }
0x199: {  	v20 =	vadd.f32 v63, v20;
	_ =	sdelay $0x1  }
0x19a: {  	v20 =	vadd.f32 v20, v19;
	_ =	sdelay $0x1  }
0x19b: {  	v20 =	vsub.f32 $0.0e+00, v20;
	_ =	sdelay $0x1  }
0x19c: {  	v20 =	vmul.f32 $1.442695020e+00, v20;
	_ =	sdelay $0x1  }
0x19d: {  	(erf) = vpow2.f32 v20;
	_ =	sdelay $0x8  }
0x19e: {  	v20 =	vpop (erf)  }
0x19f: {  	v20 =	vadd.f32 $1.000000000e+00, v20;
	_ =	sdelay $0x1  }
0x1a0: {  	(erf) = vrcp.f32 v20;
	_ =	sdelay $0x3  }
0x1a1: {  	s22 =	sadd.s32 $0x1, s22  }
0x1a2: {  	p0 =	sne.s32 s22, $0x8  }
.Ltmp8:
0x1a3: {  	_ = 	snop;
	(pc) =	sbr.rel @p0 .LBB2_16-.Ltmp8, $3  }
0x1a4: {  	_ =	sdelay $0x1  }
0x1a5: {  	v20 =	vpop (erf)  }
0x1a6: {  	s23 =	sadd.s32 $0x10, s23;
	[tilespmem:s24+$0xD400] =	vst v20  }
0x1a7: {  	s21 =	sadd.s32 $0x1, s21  }
0x1a8: {  	p0 =	sne.s32 s21, s9  }
.Ltmp9:
0x1a9: {  	_ = 	snop;
	(pc) =	sbr.rel @p0 .LBB2_1-.Ltmp9, $4  }
0x1aa: {  	[hbm4b:s8+s1] =	stream.linear.scatter [tilespmem:s20], [sflag:$0x3], $0x200, $0x38;
	[tilespmem:$0xD500] =	vst v63  }
0x1ab: {  	_ =	swait.ge [sflag:s11], $0x200  }
0x1ac: {  	[sflag:s11] =	ssyncset.done $0x0  }
0x1ad: {  	[sflag:s11] =	ssyncadd.s32 $0xFFFFFE00  }
0x1ae: {  	_ =	sfence.sel $0x180000  }
0x1af: {  	[bflag:$0x0] =	sbarrier.arrive $0xFFFF  }
0x1b0: {  	p0 =	sne.s32 s2, $0x0;
	_ =	strace $0x90000047  }
0x1b1: {  	s0 =	sadd.s32 @!p0 $0x100000, s0;
	[bflag:$0x2] =	sbarrier.arrive $0xFFFF  }
0x1b2: {  	[sflag:s0] =	ssyncadd.tile.s32 @!p0 $0x1;
	_ =	shalt  }
.Lfunc_end2:
_tile_overlayer_lowered:
.L_overlay_start_2:
0x1b3: {  	(tag) =	ssettag $0x2  }
0x1b4: {  	s0 =	rddreg [dreg:$0x0];
	s2 =	stileid.u32  }
0x1b5: {  	s1 =	rddreg [dreg:$0x1];
	p0 =	sne.s32 s2, $0x0  }
0x1b6: {  	s3 =	rddreg [dreg:$0x2];
	[bflag:$0x3] =	sbarrier.arrive $0xFFFF;
	s2 =	simm.s32 @!p0 $0x1C03  }
0x1b7: {  	[timem:s3], [sflag:s2] =	dma.local @!p0 [hbm:s0], s1  }
0x1b8: {  	s0 =	simm.s32 @!p0 $0x3  }
0x1b9: {  	_ =	swait.ge @!p0 [sflag:s0], s1  }
0x1ba: {  	s1 =	ssub.s32 @!p0 $0x0, s1;
	[sflag:s0] =	ssyncset.done @!p0 $0x0  }
0x1bb: {  	[sflag:s0] =	ssyncadd.s32 @!p0 s1  }
0x1bc: {  	[bflag:$0x3] =	sbarrier.arrive $0xFFFF  }
0x1bd: {  	_ =	shalt  }

</sc_bundles>
